<compile_context>
chip_gen: v7x
topology: tpu7x:2x2x1
jax: 0.10.2.dev20260603
libtpu: 0.0.44.dev20260713+nightly
codegen_flags: <defaults>
</compile_context>

<pallas_src>
import functools

import jax
import jax.numpy as jnp
from jax import lax
from jax.experimental import pallas as pl
from jax.experimental.pallas import tpu as pltpu
from jax.experimental.pallas import tpu_sc as plsc

N = 10000
NP = 10240
E = 320000
G = 64
DIN = 128
H = 256
NCLS = 10

CH = 80
EP = 320000
NB = EP // CH
CORES = 2
SUBC = 16
BN = 1000

_MESH = plsc.VectorSubcoreMesh(
    core_axis_name="c", subcore_axis_name="s", num_cores=CORES, num_subcores=SUBC
)


def _make_sc_agg(table_len, chunks_per_tile, core_offset):

    npt = chunks_per_tile

    @functools.partial(
        pl.kernel,
        out_type=jax.ShapeDtypeStruct((CORES, NP, DIN), jnp.float32),
        mesh=_MESH,
        scratch_types=[
            pltpu.VMEM_SHARED((NP, DIN), jnp.float32),
            pltpu.VMEM((CH,), jnp.int32),
            pltpu.VMEM((CH,), jnp.int32),
            pltpu.VMEM((CH, DIN), jnp.float32),
            pltpu.SemaphoreType.DMA,
        ],
    )
    def k(tab_hbm, e_hbm, z_hbm, out_hbm, acc, sbuf, dbuf, rows, sem):
        c = lax.axis_index("c")
        s = lax.axis_index("s")
        rpt = NP // SUBC
        pltpu.sync_copy(z_hbm.at[pl.ds(s * rpt, rpt)], acc.at[pl.ds(s * rpt, rpt)])
        if core_offset:
            base = s * npt
            soff = c * NB
        else:
            base = (c * SUBC + s) * npt
            soff = 0
        plsc.subcore_barrier()

        def step(j, carry):
            row = base + j
            pltpu.sync_copy(e_hbm.at[soff + row], sbuf)
            pltpu.sync_copy(e_hbm.at[2 * NB + row], dbuf)
            pltpu.async_copy(tab_hbm.at[sbuf], rows, sem).wait()
            pltpu.sync_copy(rows, acc.at[dbuf], add=True)
            return carry

        lax.fori_loop(0, npt, step, 0)
        plsc.subcore_barrier()
        pltpu.sync_copy(acc.at[pl.ds(s * rpt, rpt)], out_hbm.at[c].at[pl.ds(s * rpt, rpt)])

    return k


_sc_agg1 = _make_sc_agg(NP, NB // (CORES * SUBC), core_offset=False)
_sc_agg2 = _make_sc_agg(2 * NP, NB // SUBC, core_offset=True)


def _mlp1_body(x_ref, p_ref, w1_ref, b1_ref, w2_ref, b2_ref, o_ref):
    h = x_ref[...] + p_ref[0] + p_ref[1]
    t = jnp.dot(h, w1_ref[...], preferred_element_type=jnp.float32) + b1_ref[...]
    t = jnp.maximum(t, 0.0)
    u = jnp.dot(t, w2_ref[...], preferred_element_type=jnp.float32) + b2_ref[...]
    u = jnp.where(u >= 0, u, 0.01 * u)
    o_ref[0] = u[:, :DIN]
    o_ref[1] = u[:, DIN:]


def _tc_mlp1(x, p, w1, b1, w2, b2):
    return pl.pallas_call(
        _mlp1_body,
        grid=(N // BN,),
        in_specs=[
            pl.BlockSpec((BN, DIN), lambda i: (i, 0)),
            pl.BlockSpec((CORES, BN, DIN), lambda i: (0, i, 0)),
            pl.BlockSpec((DIN, H), lambda i: (0, 0)),
            pl.BlockSpec((1, H), lambda i: (0, 0)),
            pl.BlockSpec((H, H), lambda i: (0, 0)),
            pl.BlockSpec((1, H), lambda i: (0, 0)),
        ],
        out_specs=pl.BlockSpec((CORES, BN, DIN), lambda i: (0, i, 0)),
        out_shape=jax.ShapeDtypeStruct((CORES, NP, DIN), jnp.float32),
    )(x, p, w1, b1, w2, b2)


def _mlp2_body(h_ref, a_ref, b_ref, w1_ref, b1_ref, w2_ref, b2_ref,
               lw_ref, lb_ref, l2w_ref, l2b_ref, l3w_ref, l3b_ref,
               o_ref, sums, cnts):
    i = pl.program_id(0)
    z = jnp.concatenate([h_ref[0] + a_ref[0], h_ref[1] + a_ref[1]], axis=1)
    t = jnp.dot(z, w1_ref[...], preferred_element_type=jnp.float32) + b1_ref[...]
    t = jnp.maximum(t, 0.0)
    u = jnp.dot(t, w2_ref[...], preferred_element_type=jnp.float32) + b2_ref[...]
    u = jnp.where(u >= 0, u, 0.01 * u)
    bvec = b_ref[0, 0]
    oh = (bvec[:, None] == lax.broadcasted_iota(jnp.int32, (BN, G), 1)).astype(jnp.float32)
    ps = lax.dot_general(oh, u, (((0,), (0,)), ((), ())),
                         preferred_element_type=jnp.float32)
    pc = lax.dot_general(oh, jnp.ones((BN, 1), jnp.float32), (((0,), (0,)), ((), ())),
                         preferred_element_type=jnp.float32)

    @pl.when(i == 0)
    def _():
        sums[...] = ps
        cnts[...] = pc

    @pl.when(i != 0)
    def _():
        sums[...] += ps
        cnts[...] += pc

    @pl.when(i == pl.num_programs(0) - 1)
    def _():
        cnt = jnp.maximum(cnts[...], 1.0)
        mean = sums[...] / cnt
        q = jnp.dot(mean, lw_ref[...], preferred_element_type=jnp.float32) + lb_ref[...]
        q = jnp.where(q >= 0, q, 0.01 * q)
        q = jnp.dot(q, l2w_ref[...], preferred_element_type=jnp.float32) + l2b_ref[...]
        q = jnp.where(q >= 0, q, 0.01 * q)
        o_ref[...] = jnp.dot(q, l3w_ref[...], preferred_element_type=jnp.float32) + l3b_ref[...]


def _tc_mlp2(h, a, batch_r, w1, b1, w2, b2, lw, lb, l2w, l2b, l3w, l3b):
    full = lambda shp: pl.BlockSpec(shp, lambda i: tuple(0 for _ in shp))
    return pl.pallas_call(
        _mlp2_body,
        grid=(N // BN,),
        in_specs=[
            pl.BlockSpec((CORES, BN, DIN), lambda i: (0, i, 0)),
            pl.BlockSpec((CORES, BN, DIN), lambda i: (0, i, 0)),
            pl.BlockSpec((1, 1, BN), lambda i: (i, 0, 0)),
            full((H, H)), full((1, H)), full((H, H)), full((1, H)),
            full((H, H // 2)), full((1, H // 2)),
            full((H // 2, H // 2)), full((1, H // 2)),
            full((H // 2, NCLS)), full((1, NCLS)),
        ],
        out_specs=pl.BlockSpec((G, NCLS), lambda i: (0, 0)),
        out_shape=jax.ShapeDtypeStruct((G, NCLS), jnp.float32),
        scratch_shapes=[
            pltpu.VMEM((G, H), jnp.float32),
            pltpu.VMEM((G, 1), jnp.float32),
        ],
    )(h, a, batch_r, w1, b1, w2, b2, lw, lb, l2w, l2b, l3w, l3b)


def kernel(x, edge_index, batch, c1_w1, c1_b1, c1_w2, c1_b2,
           c2_w1, c2_b1, c2_w2, c2_b2, lin_w, lin_b, lin2_w, lin2_b,
           lin3_w, lin3_b):
    src = edge_index[0].reshape(NB, CH)
    dst = edge_index[1].reshape(NB, CH)
    eflat = jnp.concatenate([src, src + NP, dst], axis=0)
    zeros = jnp.zeros((NP, DIN), jnp.float32)

    p = _sc_agg1(x, eflat, zeros)
    h1 = _tc_mlp1(x, p, c1_w1, c1_b1.reshape(1, H), c1_w2, c1_b2.reshape(1, H))
    a2 = _sc_agg2(h1.reshape(2 * NP, DIN), eflat, zeros)
    batch_r = batch.reshape(N // BN, 1, BN)
    return _tc_mlp2(
        h1, a2, batch_r,
        c2_w1, c2_b1.reshape(1, H), c2_w2, c2_b2.reshape(1, H),
        lin_w, lin_b.reshape(1, H // 2),
        lin2_w, lin2_b.reshape(1, H // 2),
        lin3_w, lin3_b.reshape(1, NCLS),
    )

# --- scband reference (transcript-rebuilt; emitter-appended) ---
"""Pipeline reference for scband-gin-31568009625967 (READ-ONLY COPY).

The authoritative reference and input builder live on the scoring server;
editing this copy changes nothing except your own understanding.
"""

import jax, jax.numpy as jnp
import numpy as np

N = 10000
E = 320000
G = 64
DIN = 128
H = 256
NC = 10


def _lin(x, w, b):
    return x @ w + b


def _gin_conv(x, edge_index, w1, b1, w2, b2, eps=0.0):
    src = edge_index[0]
    dst = edge_index[1]
    msgs = jnp.take(x, src, axis=0)
    agg = jax.ops.segment_sum(msgs, dst, num_segments=N)
    h = (1.0 + eps) * x + agg
    h = _lin(h, w1, b1)
    h = jax.nn.relu(h)
    h = _lin(h, w2, b2)
    return h


def _global_mean_pool(x, batch, num_graphs):
    sums = jax.ops.segment_sum(x, batch, num_segments=num_graphs)
    counts = jax.ops.segment_sum(jnp.ones((x.shape[0],), dtype=x.dtype), batch, num_segments=num_graphs)
    counts = jnp.maximum(counts, 1.0)
    return sums / counts[:, None]


def setup_inputs(seed: int = 0) -> dict:
    key = jax.random.key(seed)
    ks = jax.random.split(key, 20)
    x = jax.random.normal(ks[0], (N, DIN), dtype=jnp.float32)
    edge_index = jax.random.randint(ks[1], (2, E), 0, N, dtype=jnp.int32)
    batch = jnp.sort(jax.random.randint(ks[2], (N,), 0, G, dtype=jnp.int32))
    def w(k, fan_in, fan_out):
        return jax.random.normal(k, (fan_in, fan_out), dtype=jnp.float32) * (1.0 / np.sqrt(fan_in))
    return {
        "x": x,
        "edge_index": edge_index,
        "batch": batch,
        "c1_w1": w(ks[3], DIN, H), "c1_b1": jnp.zeros((H,), jnp.float32),
        "c1_w2": w(ks[4], H, H), "c1_b2": jnp.zeros((H,), jnp.float32),
        "c2_w1": w(ks[5], H, H), "c2_b1": jnp.zeros((H,), jnp.float32),
        "c2_w2": w(ks[6], H, H), "c2_b2": jnp.zeros((H,), jnp.float32),
        "lin_w": w(ks[7], H, H // 2), "lin_b": jnp.zeros((H // 2,), jnp.float32),
        "lin2_w": w(ks[8], H // 2, H // 2), "lin2_b": jnp.zeros((H // 2,), jnp.float32),
        "lin3_w": w(ks[9], H // 2, NC), "lin3_b": jnp.zeros((NC,), jnp.float32),
    }


def reference(x, edge_index, batch, c1_w1, c1_b1, c1_w2, c1_b2, c2_w1, c2_b1, c2_w2, c2_b2, lin_w, lin_b, lin2_w, lin2_b, lin3_w, lin3_b):
    h = _gin_conv(x, edge_index, c1_w1, c1_b1, c1_w2, c1_b2)
    h = jax.nn.leaky_relu(h, negative_slope=0.01)
    h = _gin_conv(h, edge_index, c2_w1, c2_b1, c2_w2, c2_b2)
    h = jax.nn.leaky_relu(h, negative_slope=0.01)
    h = _global_mean_pool(h, batch, G)
    h = _lin(h, lin_w, lin_b)
    h = jax.nn.leaky_relu(h, negative_slope=0.01)
    h = _lin(h, lin2_w, lin2_b)
    h = jax.nn.leaky_relu(h, negative_slope=0.01)
    h = _lin(h, lin3_w, lin3_b)
    return h

if __name__ == "__main__":
    import jax
    _d = setup_inputs()
    print(jax.jit(kernel)(*tuple(_d.values())))

</pallas_src>

<mosaic_0001>
#map = affine_map<(d0, d1) -> (0, 0)>
#map1 = affine_map<(d0, d1) -> (0, 0, 0)>
module attributes {stable_mosaic.version = 14 : i64} {
  func.func @k(%arg0: i32, %arg1: i32, %arg2: memref<10000x128xf32, #tpu.memory_space<hbm>>, %arg3: memref<12000x80xi32, #tpu.memory_space<hbm>>, %arg4: memref<10240x128xf32, #tpu.memory_space<hbm>>, %arg5: memref<2x10240x128xf32, #tpu.memory_space<hbm>>, %arg6: memref<10240x128xf32, #tpu.memory_space<vmem_shared>>, %arg7: memref<80xi32, #tpu.memory_space<vmem>>, %arg8: memref<80xi32, #tpu.memory_space<vmem>>, %arg9: memref<80x128xf32, #tpu.memory_space<vmem>>, %arg10: memref<!tpu.dma_semaphore, #tpu.memory_space<semaphore_mem>>) attributes {dimension_semantics = [#tpu.dimension_semantics<core_parallel>, #tpu.dimension_semantics<subcore_parallel>], iteration_bounds = array<i64: 2, 16>, scalar_prefetch = 0 : i64, scratch_operands = 5 : i64, tpu.core_type = #tpu.core_type<sc_vector_subcore>, window_params = [{transform_indices = #map}, {transform_indices = #map}, {transform_indices = #map}, {transform_indices = #map1}]} {
    %mul3A = arith.constant 640 : i32
    %mul3A_0 = arith.muli %arg1, %mul3A : i32
    %mul3A_1 = arith.constant 640 : i32
    %mul3A_2 = arith.muli %arg1, %mul3A_1 : i32
    "tpu.region"() ({
      %run_scoped3A = tpu.sem_alloc : memref<!tpu.dma_semaphore, #tpu.memory_space<semaphore_mem>>
      %dma_start3A = arith.constant 0 : i32
      %dma_start3A_17 = tpu.memref_slice %arg6[%mul3A_2, %dma_start3A] : memref<10240x128xf32, #tpu.memory_space<vmem_shared>> -> memref<640x128xf32, #tpu.memory_space<vmem_shared>>
      %dma_start3A_18 = arith.constant 0 : i32
      %dma_start3A_19 = tpu.memref_slice %arg4[%mul3A_0, %dma_start3A_18] : memref<10240x128xf32, #tpu.memory_space<hbm>> -> memref<640x128xf32, #tpu.memory_space<hbm>>
      tpu.enqueue_dma source(%dma_start3A_19 : memref<640x128xf32, #tpu.memory_space<hbm>>) target(%dma_start3A_17 : memref<640x128xf32, #tpu.memory_space<vmem_shared>>) target_semaphore(%run_scoped3A : memref<!tpu.dma_semaphore, #tpu.memory_space<semaphore_mem>>)
      %dma_wait3A = arith.constant 0 : i32
      %dma_wait3A_20 = tpu.memref_slice %arg6[%mul3A_2, %dma_wait3A] : memref<10240x128xf32, #tpu.memory_space<vmem_shared>> -> memref<640x128xf32, #tpu.memory_space<vmem_shared>>
      %dma_wait3A_21 = arith.constant 0 : i32
      %dma_wait3A_22 = tpu.memref_slice %arg4[%mul3A_0, %dma_wait3A_21] : memref<10240x128xf32, #tpu.memory_space<hbm>> -> memref<640x128xf32, #tpu.memory_space<hbm>>
      tpu.wait_dma2 semaphore(%run_scoped3A : memref<!tpu.dma_semaphore, #tpu.memory_space<semaphore_mem>>) src(%dma_wait3A_22 : memref<640x128xf32, #tpu.memory_space<hbm>>) dst(%dma_wait3A_20 : memref<640x128xf32, #tpu.memory_space<vmem_shared>>)
      tpu.yield
    }) : () -> ()
    %mul3A_3 = arith.constant 16 : i32
    %mul3A_4 = arith.muli %arg0, %mul3A_3 : i32
    %add3A = arith.addi %mul3A_4, %arg1 : i32
    %mul3A_5 = arith.constant 125 : i32
    %mul3A_6 = arith.muli %add3A, %mul3A_5 : i32
    %barrier3A = arith.constant 0 : index
    tpu.barrier barrier_id(%barrier3A)
    %scan3A = arith.constant 0 : i32
    %scan3A_7 = arith.constant 0 : i32
    %scan3A_8 = arith.constant 125 : i32
    %scan3A_9 = arith.addi %scan3A_7, %scan3A_8 : i32
    %scan3A_10 = arith.constant 1 : i32
    scf.for %scan3A_17 = %scan3A_7 to %scan3A_9 step %scan3A_10  : i32 {
      %add3A_18 = arith.addi %mul3A_6, %scan3A_17 : i32
      %add3A_19 = arith.constant 0 : i32
      %add3A_20 = arith.addi %add3A_19, %add3A_18 : i32
      "tpu.region"() ({
        %run_scoped3A = tpu.sem_alloc : memref<!tpu.dma_semaphore, #tpu.memory_space<semaphore_mem>>
        %dma_start3A_27 = arith.constant 0 : i32
        %dma_start3A_28 = tpu.memref_slice %arg3[%add3A_20, %dma_start3A_27] : memref<12000x80xi32, #tpu.memory_space<hbm>> -> memref<1x80xi32, #tpu.memory_space<hbm>>
        %dma_start3A_29 = tpu.memref_squeeze %dma_start3A_28 : memref<1x80xi32, #tpu.memory_space<hbm>> -> memref<80xi32, #tpu.memory_space<hbm>>
        %dma_start3A_30 = arith.constant 0 : i32
        %dma_start3A_31 = tpu.memref_slice %arg3[%add3A_20, %dma_start3A_30] : memref<12000x80xi32, #tpu.memory_space<hbm>> -> memref<1x80xi32, #tpu.memory_space<hbm>>
        %dma_start3A_32 = tpu.memref_squeeze %dma_start3A_31 : memref<1x80xi32, #tpu.memory_space<hbm>> -> memref<80xi32, #tpu.memory_space<hbm>>
        tpu.enqueue_dma source(%dma_start3A_32 : memref<80xi32, #tpu.memory_space<hbm>>) target(%arg7 : memref<80xi32, #tpu.memory_space<vmem>>) target_semaphore(%run_scoped3A : memref<!tpu.dma_semaphore, #tpu.memory_space<semaphore_mem>>)
        %dma_wait3A_33 = arith.constant 0 : i32
        %dma_wait3A_34 = tpu.memref_slice %arg3[%add3A_20, %dma_wait3A_33] : memref<12000x80xi32, #tpu.memory_space<hbm>> -> memref<1x80xi32, #tpu.memory_space<hbm>>
        %dma_wait3A_35 = tpu.memref_squeeze %dma_wait3A_34 : memref<1x80xi32, #tpu.memory_space<hbm>> -> memref<80xi32, #tpu.memory_space<hbm>>
        %dma_wait3A_36 = arith.constant 0 : i32
        %dma_wait3A_37 = tpu.memref_slice %arg3[%add3A_20, %dma_wait3A_36] : memref<12000x80xi32, #tpu.memory_space<hbm>> -> memref<1x80xi32, #tpu.memory_space<hbm>>
        %dma_wait3A_38 = tpu.memref_squeeze %dma_wait3A_37 : memref<1x80xi32, #tpu.memory_space<hbm>> -> memref<80xi32, #tpu.memory_space<hbm>>
        tpu.wait_dma2 semaphore(%run_scoped3A : memref<!tpu.dma_semaphore, #tpu.memory_space<semaphore_mem>>) src(%dma_wait3A_38 : memref<80xi32, #tpu.memory_space<hbm>>) dst(%arg7 : memref<80xi32, #tpu.memory_space<vmem>>)
        tpu.yield
      }) : () -> ()
      %add3A_21 = arith.constant 8000 : i32
      %add3A_22 = arith.addi %add3A_21, %add3A_18 : i32
      "tpu.region"() ({
        %run_scoped3A = tpu.sem_alloc : memref<!tpu.dma_semaphore, #tpu.memory_space<semaphore_mem>>
        %dma_start3A_27 = arith.constant 0 : i32
        %dma_start3A_28 = tpu.memref_slice %arg3[%add3A_22, %dma_start3A_27] : memref<12000x80xi32, #tpu.memory_space<hbm>> -> memref<1x80xi32, #tpu.memory_space<hbm>>
        %dma_start3A_29 = tpu.memref_squeeze %dma_start3A_28 : memref<1x80xi32, #tpu.memory_space<hbm>> -> memref<80xi32, #tpu.memory_space<hbm>>
        %dma_start3A_30 = arith.constant 0 : i32
        %dma_start3A_31 = tpu.memref_slice %arg3[%add3A_22, %dma_start3A_30] : memref<12000x80xi32, #tpu.memory_space<hbm>> -> memref<1x80xi32, #tpu.memory_space<hbm>>
        %dma_start3A_32 = tpu.memref_squeeze %dma_start3A_31 : memref<1x80xi32, #tpu.memory_space<hbm>> -> memref<80xi32, #tpu.memory_space<hbm>>
        tpu.enqueue_dma source(%dma_start3A_32 : memref<80xi32, #tpu.memory_space<hbm>>) target(%arg8 : memref<80xi32, #tpu.memory_space<vmem>>) target_semaphore(%run_scoped3A : memref<!tpu.dma_semaphore, #tpu.memory_space<semaphore_mem>>)
        %dma_wait3A_33 = arith.constant 0 : i32
        %dma_wait3A_34 = tpu.memref_slice %arg3[%add3A_22, %dma_wait3A_33] : memref<12000x80xi32, #tpu.memory_space<hbm>> -> memref<1x80xi32, #tpu.memory_space<hbm>>
        %dma_wait3A_35 = tpu.memref_squeeze %dma_wait3A_34 : memref<1x80xi32, #tpu.memory_space<hbm>> -> memref<80xi32, #tpu.memory_space<hbm>>
        %dma_wait3A_36 = arith.constant 0 : i32
        %dma_wait3A_37 = tpu.memref_slice %arg3[%add3A_22, %dma_wait3A_36] : memref<12000x80xi32, #tpu.memory_space<hbm>> -> memref<1x80xi32, #tpu.memory_space<hbm>>
        %dma_wait3A_38 = tpu.memref_squeeze %dma_wait3A_37 : memref<1x80xi32, #tpu.memory_space<hbm>> -> memref<80xi32, #tpu.memory_space<hbm>>
        tpu.wait_dma2 semaphore(%run_scoped3A : memref<!tpu.dma_semaphore, #tpu.memory_space<semaphore_mem>>) src(%dma_wait3A_38 : memref<80xi32, #tpu.memory_space<hbm>>) dst(%arg8 : memref<80xi32, #tpu.memory_space<vmem>>)
        tpu.yield
      }) : () -> ()
      %dma_start3A = arith.constant 0 : i32
      %dma_start3A_23 = arith.constant 0 : i32
      %dma_start3A_24 = tpu.memref_slice %arg2[%dma_start3A, %dma_start3A_23] : memref<10000x128xf32, #tpu.memory_space<hbm>> -> memref<10000x128xf32, #tpu.memory_space<hbm>>
      tpu.enqueue_indirect_dma source(%dma_start3A_24 : memref<10000x128xf32, #tpu.memory_space<hbm>>) target(%arg9 : memref<80x128xf32, #tpu.memory_space<vmem>>) offsets(%arg7 : memref<80xi32, #tpu.memory_space<vmem>>) semaphore(%arg10 : memref<!tpu.dma_semaphore, #tpu.memory_space<semaphore_mem>>)
      %dma_wait3A = arith.constant 0 : i32
      %dma_wait3A_25 = arith.constant 0 : i32
      %dma_wait3A_26 = tpu.memref_slice %arg2[%dma_wait3A, %dma_wait3A_25] : memref<10000x128xf32, #tpu.memory_space<hbm>> -> memref<10000x128xf32, #tpu.memory_space<hbm>>
      tpu.wait_indirect_dma semaphore(%arg10 : memref<!tpu.dma_semaphore, #tpu.memory_space<semaphore_mem>>) src(%dma_wait3A_26 : memref<10000x128xf32, #tpu.memory_space<hbm>>) dst(%arg9 : memref<80x128xf32, #tpu.memory_space<vmem>>)
      "tpu.region"() ({
        %run_scoped3A = tpu.sem_alloc : memref<!tpu.dma_semaphore, #tpu.memory_space<semaphore_mem>>
        %dma_start3A_27 = arith.constant 0 : i32
        %dma_start3A_28 = arith.constant 0 : i32
        %dma_start3A_29 = tpu.memref_slice %arg6[%dma_start3A_27, %dma_start3A_28] : memref<10240x128xf32, #tpu.memory_space<vmem_shared>> -> memref<10240x128xf32, #tpu.memory_space<vmem_shared>>
        tpu.enqueue_indirect_dma source(%arg9 : memref<80x128xf32, #tpu.memory_space<vmem>>) target(%dma_start3A_29 : memref<10240x128xf32, #tpu.memory_space<vmem_shared>>) offsets(%arg8 : memref<80xi32, #tpu.memory_space<vmem>>) semaphore(%run_scoped3A : memref<!tpu.dma_semaphore, #tpu.memory_space<semaphore_mem>>) {add = true}
        %dma_wait3A_30 = arith.constant 0 : i32
        %dma_wait3A_31 = arith.constant 0 : i32
        %dma_wait3A_32 = tpu.memref_slice %arg6[%dma_wait3A_30, %dma_wait3A_31] : memref<10240x128xf32, #tpu.memory_space<vmem_shared>> -> memref<10240x128xf32, #tpu.memory_space<vmem_shared>>
        tpu.wait_indirect_dma semaphore(%run_scoped3A : memref<!tpu.dma_semaphore, #tpu.memory_space<semaphore_mem>>) src(%arg9 : memref<80x128xf32, #tpu.memory_space<vmem>>) dst(%dma_wait3A_32 : memref<10240x128xf32, #tpu.memory_space<vmem_shared>>)
        tpu.yield
      }) : () -> ()
    }
    %scan3A_11 = arith.constant 125 : i32
    %barrier3A_12 = arith.constant 0 : index
    tpu.barrier barrier_id(%barrier3A_12)
    %mul3A_13 = arith.constant 640 : i32
    %mul3A_14 = arith.muli %arg1, %mul3A_13 : i32
    %mul3A_15 = arith.constant 640 : i32
    %mul3A_16 = arith.muli %arg1, %mul3A_15 : i32
    "tpu.region"() ({
      %run_scoped3A = tpu.sem_alloc : memref<!tpu.dma_semaphore, #tpu.memory_space<semaphore_mem>>
      %dma_start3A = arith.constant 0 : i32
      %dma_start3A_17 = arith.constant 0 : i32
      %dma_start3A_18 = tpu.memref_slice %arg5[%arg0, %dma_start3A, %dma_start3A_17] : memref<2x10240x128xf32, #tpu.memory_space<hbm>> -> memref<1x10240x128xf32, #tpu.memory_space<hbm>>
      %dma_start3A_19 = tpu.memref_squeeze %dma_start3A_18 : memref<1x10240x128xf32, #tpu.memory_space<hbm>> -> memref<10240x128xf32, #tpu.memory_space<hbm>>
      %dma_start3A_20 = arith.constant 0 : i32
      %dma_start3A_21 = tpu.memref_slice %dma_start3A_19[%mul3A_16, %dma_start3A_20] : memref<10240x128xf32, #tpu.memory_space<hbm>> -> memref<640x128xf32, #tpu.memory_space<hbm>>
      %dma_start3A_22 = arith.constant 0 : i32
      %dma_start3A_23 = tpu.memref_slice %arg6[%mul3A_14, %dma_start3A_22] : memref<10240x128xf32, #tpu.memory_space<vmem_shared>> -> memref<640x128xf32, #tpu.memory_space<vmem_shared>>
      tpu.enqueue_dma source(%dma_start3A_23 : memref<640x128xf32, #tpu.memory_space<vmem_shared>>) target(%dma_start3A_21 : memref<640x128xf32, #tpu.memory_space<hbm>>) target_semaphore(%run_scoped3A : memref<!tpu.dma_semaphore, #tpu.memory_space<semaphore_mem>>)
      %dma_wait3A = arith.constant 0 : i32
      %dma_wait3A_24 = arith.constant 0 : i32
      %dma_wait3A_25 = tpu.memref_slice %arg5[%arg0, %dma_wait3A, %dma_wait3A_24] : memref<2x10240x128xf32, #tpu.memory_space<hbm>> -> memref<1x10240x128xf32, #tpu.memory_space<hbm>>
      %dma_wait3A_26 = tpu.memref_squeeze %dma_wait3A_25 : memref<1x10240x128xf32, #tpu.memory_space<hbm>> -> memref<10240x128xf32, #tpu.memory_space<hbm>>
      %dma_wait3A_27 = arith.constant 0 : i32
      %dma_wait3A_28 = tpu.memref_slice %dma_wait3A_26[%mul3A_16, %dma_wait3A_27] : memref<10240x128xf32, #tpu.memory_space<hbm>> -> memref<640x128xf32, #tpu.memory_space<hbm>>
      %dma_wait3A_29 = arith.constant 0 : i32
      %dma_wait3A_30 = tpu.memref_slice %arg6[%mul3A_14, %dma_wait3A_29] : memref<10240x128xf32, #tpu.memory_space<vmem_shared>> -> memref<640x128xf32, #tpu.memory_space<vmem_shared>>
      tpu.wait_dma2 semaphore(%run_scoped3A : memref<!tpu.dma_semaphore, #tpu.memory_space<semaphore_mem>>) src(%dma_wait3A_30 : memref<640x128xf32, #tpu.memory_space<vmem_shared>>) dst(%dma_wait3A_28 : memref<640x128xf32, #tpu.memory_space<hbm>>)
      tpu.yield
    }) : () -> ()
    return
  }
}

#map = affine_map<(d0, d1) -> (0, 0)>
#map1 = affine_map<(d0, d1) -> (0, 0, 0)>
module attributes {stable_mosaic.version = 14 : i64} {
  func.func @k(%arg0: i32, %arg1: i32, %arg2: memref<20480x128xf32, #tpu.memory_space<hbm>>, %arg3: memref<12000x80xi32, #tpu.memory_space<hbm>>, %arg4: memref<10240x128xf32, #tpu.memory_space<hbm>>, %arg5: memref<2x10240x128xf32, #tpu.memory_space<hbm>>, %arg6: memref<10240x128xf32, #tpu.memory_space<vmem_shared>>, %arg7: memref<80xi32, #tpu.memory_space<vmem>>, %arg8: memref<80xi32, #tpu.memory_space<vmem>>, %arg9: memref<80x128xf32, #tpu.memory_space<vmem>>, %arg10: memref<!tpu.dma_semaphore, #tpu.memory_space<semaphore_mem>>) attributes {dimension_semantics = [#tpu.dimension_semantics<core_parallel>, #tpu.dimension_semantics<subcore_parallel>], iteration_bounds = array<i64: 2, 16>, scalar_prefetch = 0 : i64, scratch_operands = 5 : i64, tpu.core_type = #tpu.core_type<sc_vector_subcore>, window_params = [{transform_indices = #map}, {transform_indices = #map}, {transform_indices = #map}, {transform_indices = #map1}]} {
    %mul3A = arith.constant 640 : i32
    %mul3A_0 = arith.muli %arg1, %mul3A : i32
    %mul3A_1 = arith.constant 640 : i32
    %mul3A_2 = arith.muli %arg1, %mul3A_1 : i32
    "tpu.region"() ({
      %run_scoped3A = tpu.sem_alloc : memref<!tpu.dma_semaphore, #tpu.memory_space<semaphore_mem>>
      %dma_start3A = arith.constant 0 : i32
      %dma_start3A_17 = tpu.memref_slice %arg6[%mul3A_2, %dma_start3A] : memref<10240x128xf32, #tpu.memory_space<vmem_shared>> -> memref<640x128xf32, #tpu.memory_space<vmem_shared>>
      %dma_start3A_18 = arith.constant 0 : i32
      %dma_start3A_19 = tpu.memref_slice %arg4[%mul3A_0, %dma_start3A_18] : memref<10240x128xf32, #tpu.memory_space<hbm>> -> memref<640x128xf32, #tpu.memory_space<hbm>>
      tpu.enqueue_dma source(%dma_start3A_19 : memref<640x128xf32, #tpu.memory_space<hbm>>) target(%dma_start3A_17 : memref<640x128xf32, #tpu.memory_space<vmem_shared>>) target_semaphore(%run_scoped3A : memref<!tpu.dma_semaphore, #tpu.memory_space<semaphore_mem>>)
      %dma_wait3A = arith.constant 0 : i32
      %dma_wait3A_20 = tpu.memref_slice %arg6[%mul3A_2, %dma_wait3A] : memref<10240x128xf32, #tpu.memory_space<vmem_shared>> -> memref<640x128xf32, #tpu.memory_space<vmem_shared>>
      %dma_wait3A_21 = arith.constant 0 : i32
      %dma_wait3A_22 = tpu.memref_slice %arg4[%mul3A_0, %dma_wait3A_21] : memref<10240x128xf32, #tpu.memory_space<hbm>> -> memref<640x128xf32, #tpu.memory_space<hbm>>
      tpu.wait_dma2 semaphore(%run_scoped3A : memref<!tpu.dma_semaphore, #tpu.memory_space<semaphore_mem>>) src(%dma_wait3A_22 : memref<640x128xf32, #tpu.memory_space<hbm>>) dst(%dma_wait3A_20 : memref<640x128xf32, #tpu.memory_space<vmem_shared>>)
      tpu.yield
    }) : () -> ()
    %mul3A_3 = arith.constant 250 : i32
    %mul3A_4 = arith.muli %arg1, %mul3A_3 : i32
    %mul3A_5 = arith.constant 4000 : i32
    %mul3A_6 = arith.muli %arg0, %mul3A_5 : i32
    %barrier3A = arith.constant 0 : index
    tpu.barrier barrier_id(%barrier3A)
    %scan3A = arith.constant 0 : i32
    %scan3A_7 = arith.constant 0 : i32
    %scan3A_8 = arith.constant 250 : i32
    %scan3A_9 = arith.addi %scan3A_7, %scan3A_8 : i32
    %scan3A_10 = arith.constant 1 : i32
    scf.for %scan3A_17 = %scan3A_7 to %scan3A_9 step %scan3A_10  : i32 {
      %add3A = arith.addi %mul3A_4, %scan3A_17 : i32
      %add3A_18 = arith.addi %mul3A_6, %add3A : i32
      "tpu.region"() ({
        %run_scoped3A = tpu.sem_alloc : memref<!tpu.dma_semaphore, #tpu.memory_space<semaphore_mem>>
        %dma_start3A_25 = arith.constant 0 : i32
        %dma_start3A_26 = tpu.memref_slice %arg3[%add3A_18, %dma_start3A_25] : memref<12000x80xi32, #tpu.memory_space<hbm>> -> memref<1x80xi32, #tpu.memory_space<hbm>>
        %dma_start3A_27 = tpu.memref_squeeze %dma_start3A_26 : memref<1x80xi32, #tpu.memory_space<hbm>> -> memref<80xi32, #tpu.memory_space<hbm>>
        %dma_start3A_28 = arith.constant 0 : i32
        %dma_start3A_29 = tpu.memref_slice %arg3[%add3A_18, %dma_start3A_28] : memref<12000x80xi32, #tpu.memory_space<hbm>> -> memref<1x80xi32, #tpu.memory_space<hbm>>
        %dma_start3A_30 = tpu.memref_squeeze %dma_start3A_29 : memref<1x80xi32, #tpu.memory_space<hbm>> -> memref<80xi32, #tpu.memory_space<hbm>>
        tpu.enqueue_dma source(%dma_start3A_30 : memref<80xi32, #tpu.memory_space<hbm>>) target(%arg7 : memref<80xi32, #tpu.memory_space<vmem>>) target_semaphore(%run_scoped3A : memref<!tpu.dma_semaphore, #tpu.memory_space<semaphore_mem>>)
        %dma_wait3A_31 = arith.constant 0 : i32
        %dma_wait3A_32 = tpu.memref_slice %arg3[%add3A_18, %dma_wait3A_31] : memref<12000x80xi32, #tpu.memory_space<hbm>> -> memref<1x80xi32, #tpu.memory_space<hbm>>
        %dma_wait3A_33 = tpu.memref_squeeze %dma_wait3A_32 : memref<1x80xi32, #tpu.memory_space<hbm>> -> memref<80xi32, #tpu.memory_space<hbm>>
        %dma_wait3A_34 = arith.constant 0 : i32
        %dma_wait3A_35 = tpu.memref_slice %arg3[%add3A_18, %dma_wait3A_34] : memref<12000x80xi32, #tpu.memory_space<hbm>> -> memref<1x80xi32, #tpu.memory_space<hbm>>
        %dma_wait3A_36 = tpu.memref_squeeze %dma_wait3A_35 : memref<1x80xi32, #tpu.memory_space<hbm>> -> memref<80xi32, #tpu.memory_space<hbm>>
        tpu.wait_dma2 semaphore(%run_scoped3A : memref<!tpu.dma_semaphore, #tpu.memory_space<semaphore_mem>>) src(%dma_wait3A_36 : memref<80xi32, #tpu.memory_space<hbm>>) dst(%arg7 : memref<80xi32, #tpu.memory_space<vmem>>)
        tpu.yield
      }) : () -> ()
      %add3A_19 = arith.constant 8000 : i32
      %add3A_20 = arith.addi %add3A_19, %add3A : i32
      "tpu.region"() ({
        %run_scoped3A = tpu.sem_alloc : memref<!tpu.dma_semaphore, #tpu.memory_space<semaphore_mem>>
        %dma_start3A_25 = arith.constant 0 : i32
        %dma_start3A_26 = tpu.memref_slice %arg3[%add3A_20, %dma_start3A_25] : memref<12000x80xi32, #tpu.memory_space<hbm>> -> memref<1x80xi32, #tpu.memory_space<hbm>>
        %dma_start3A_27 = tpu.memref_squeeze %dma_start3A_26 : memref<1x80xi32, #tpu.memory_space<hbm>> -> memref<80xi32, #tpu.memory_space<hbm>>
        %dma_start3A_28 = arith.constant 0 : i32
        %dma_start3A_29 = tpu.memref_slice %arg3[%add3A_20, %dma_start3A_28] : memref<12000x80xi32, #tpu.memory_space<hbm>> -> memref<1x80xi32, #tpu.memory_space<hbm>>
        %dma_start3A_30 = tpu.memref_squeeze %dma_start3A_29 : memref<1x80xi32, #tpu.memory_space<hbm>> -> memref<80xi32, #tpu.memory_space<hbm>>
        tpu.enqueue_dma source(%dma_start3A_30 : memref<80xi32, #tpu.memory_space<hbm>>) target(%arg8 : memref<80xi32, #tpu.memory_space<vmem>>) target_semaphore(%run_scoped3A : memref<!tpu.dma_semaphore, #tpu.memory_space<semaphore_mem>>)
        %dma_wait3A_31 = arith.constant 0 : i32
        %dma_wait3A_32 = tpu.memref_slice %arg3[%add3A_20, %dma_wait3A_31] : memref<12000x80xi32, #tpu.memory_space<hbm>> -> memref<1x80xi32, #tpu.memory_space<hbm>>
        %dma_wait3A_33 = tpu.memref_squeeze %dma_wait3A_32 : memref<1x80xi32, #tpu.memory_space<hbm>> -> memref<80xi32, #tpu.memory_space<hbm>>
        %dma_wait3A_34 = arith.constant 0 : i32
        %dma_wait3A_35 = tpu.memref_slice %arg3[%add3A_20, %dma_wait3A_34] : memref<12000x80xi32, #tpu.memory_space<hbm>> -> memref<1x80xi32, #tpu.memory_space<hbm>>
        %dma_wait3A_36 = tpu.memref_squeeze %dma_wait3A_35 : memref<1x80xi32, #tpu.memory_space<hbm>> -> memref<80xi32, #tpu.memory_space<hbm>>
        tpu.wait_dma2 semaphore(%run_scoped3A : memref<!tpu.dma_semaphore, #tpu.memory_space<semaphore_mem>>) src(%dma_wait3A_36 : memref<80xi32, #tpu.memory_space<hbm>>) dst(%arg8 : memref<80xi32, #tpu.memory_space<vmem>>)
        tpu.yield
      }) : () -> ()
      %dma_start3A = arith.constant 0 : i32
      %dma_start3A_21 = arith.constant 0 : i32
      %dma_start3A_22 = tpu.memref_slice %arg2[%dma_start3A, %dma_start3A_21] : memref<20480x128xf32, #tpu.memory_space<hbm>> -> memref<20480x128xf32, #tpu.memory_space<hbm>>
      tpu.enqueue_indirect_dma source(%dma_start3A_22 : memref<20480x128xf32, #tpu.memory_space<hbm>>) target(%arg9 : memref<80x128xf32, #tpu.memory_space<vmem>>) offsets(%arg7 : memref<80xi32, #tpu.memory_space<vmem>>) semaphore(%arg10 : memref<!tpu.dma_semaphore, #tpu.memory_space<semaphore_mem>>)
      %dma_wait3A = arith.constant 0 : i32
      %dma_wait3A_23 = arith.constant 0 : i32
      %dma_wait3A_24 = tpu.memref_slice %arg2[%dma_wait3A, %dma_wait3A_23] : memref<20480x128xf32, #tpu.memory_space<hbm>> -> memref<20480x128xf32, #tpu.memory_space<hbm>>
      tpu.wait_indirect_dma semaphore(%arg10 : memref<!tpu.dma_semaphore, #tpu.memory_space<semaphore_mem>>) src(%dma_wait3A_24 : memref<20480x128xf32, #tpu.memory_space<hbm>>) dst(%arg9 : memref<80x128xf32, #tpu.memory_space<vmem>>)
      "tpu.region"() ({
        %run_scoped3A = tpu.sem_alloc : memref<!tpu.dma_semaphore, #tpu.memory_space<semaphore_mem>>
        %dma_start3A_25 = arith.constant 0 : i32
        %dma_start3A_26 = arith.constant 0 : i32
        %dma_start3A_27 = tpu.memref_slice %arg6[%dma_start3A_25, %dma_start3A_26] : memref<10240x128xf32, #tpu.memory_space<vmem_shared>> -> memref<10240x128xf32, #tpu.memory_space<vmem_shared>>
        tpu.enqueue_indirect_dma source(%arg9 : memref<80x128xf32, #tpu.memory_space<vmem>>) target(%dma_start3A_27 : memref<10240x128xf32, #tpu.memory_space<vmem_shared>>) offsets(%arg8 : memref<80xi32, #tpu.memory_space<vmem>>) semaphore(%run_scoped3A : memref<!tpu.dma_semaphore, #tpu.memory_space<semaphore_mem>>) {add = true}
        %dma_wait3A_28 = arith.constant 0 : i32
        %dma_wait3A_29 = arith.constant 0 : i32
        %dma_wait3A_30 = tpu.memref_slice %arg6[%dma_wait3A_28, %dma_wait3A_29] : memref<10240x128xf32, #tpu.memory_space<vmem_shared>> -> memref<10240x128xf32, #tpu.memory_space<vmem_shared>>
        tpu.wait_indirect_dma semaphore(%run_scoped3A : memref<!tpu.dma_semaphore, #tpu.memory_space<semaphore_mem>>) src(%arg9 : memref<80x128xf32, #tpu.memory_space<vmem>>) dst(%dma_wait3A_30 : memref<10240x128xf32, #tpu.memory_space<vmem_shared>>)
        tpu.yield
      }) : () -> ()
    }
    %scan3A_11 = arith.constant 250 : i32
    %barrier3A_12 = arith.constant 0 : index
    tpu.barrier barrier_id(%barrier3A_12)
    %mul3A_13 = arith.constant 640 : i32
    %mul3A_14 = arith.muli %arg1, %mul3A_13 : i32
    %mul3A_15 = arith.constant 640 : i32
    %mul3A_16 = arith.muli %arg1, %mul3A_15 : i32
    "tpu.region"() ({
      %run_scoped3A = tpu.sem_alloc : memref<!tpu.dma_semaphore, #tpu.memory_space<semaphore_mem>>
      %dma_start3A = arith.constant 0 : i32
      %dma_start3A_17 = arith.constant 0 : i32
      %dma_start3A_18 = tpu.memref_slice %arg5[%arg0, %dma_start3A, %dma_start3A_17] : memref<2x10240x128xf32, #tpu.memory_space<hbm>> -> memref<1x10240x128xf32, #tpu.memory_space<hbm>>
      %dma_start3A_19 = tpu.memref_squeeze %dma_start3A_18 : memref<1x10240x128xf32, #tpu.memory_space<hbm>> -> memref<10240x128xf32, #tpu.memory_space<hbm>>
      %dma_start3A_20 = arith.constant 0 : i32
      %dma_start3A_21 = tpu.memref_slice %dma_start3A_19[%mul3A_16, %dma_start3A_20] : memref<10240x128xf32, #tpu.memory_space<hbm>> -> memref<640x128xf32, #tpu.memory_space<hbm>>
      %dma_start3A_22 = arith.constant 0 : i32
      %dma_start3A_23 = tpu.memref_slice %arg6[%mul3A_14, %dma_start3A_22] : memref<10240x128xf32, #tpu.memory_space<vmem_shared>> -> memref<640x128xf32, #tpu.memory_space<vmem_shared>>
      tpu.enqueue_dma source(%dma_start3A_23 : memref<640x128xf32, #tpu.memory_space<vmem_shared>>) target(%dma_start3A_21 : memref<640x128xf32, #tpu.memory_space<hbm>>) target_semaphore(%run_scoped3A : memref<!tpu.dma_semaphore, #tpu.memory_space<semaphore_mem>>)
      %dma_wait3A = arith.constant 0 : i32
      %dma_wait3A_24 = arith.constant 0 : i32
      %dma_wait3A_25 = tpu.memref_slice %arg5[%arg0, %dma_wait3A, %dma_wait3A_24] : memref<2x10240x128xf32, #tpu.memory_space<hbm>> -> memref<1x10240x128xf32, #tpu.memory_space<hbm>>
      %dma_wait3A_26 = tpu.memref_squeeze %dma_wait3A_25 : memref<1x10240x128xf32, #tpu.memory_space<hbm>> -> memref<10240x128xf32, #tpu.memory_space<hbm>>
      %dma_wait3A_27 = arith.constant 0 : i32
      %dma_wait3A_28 = tpu.memref_slice %dma_wait3A_26[%mul3A_16, %dma_wait3A_27] : memref<10240x128xf32, #tpu.memory_space<hbm>> -> memref<640x128xf32, #tpu.memory_space<hbm>>
      %dma_wait3A_29 = arith.constant 0 : i32
      %dma_wait3A_30 = tpu.memref_slice %arg6[%mul3A_14, %dma_wait3A_29] : memref<10240x128xf32, #tpu.memory_space<vmem_shared>> -> memref<640x128xf32, #tpu.memory_space<vmem_shared>>
      tpu.wait_dma2 semaphore(%run_scoped3A : memref<!tpu.dma_semaphore, #tpu.memory_space<semaphore_mem>>) src(%dma_wait3A_30 : memref<640x128xf32, #tpu.memory_space<vmem_shared>>) dst(%dma_wait3A_28 : memref<640x128xf32, #tpu.memory_space<hbm>>)
      tpu.yield
    }) : () -> ()
    return
  }
}

module attributes {stable_mosaic.version = 14 : i64} {
  func.func @_mlp1_body(%arg0: i32, %arg1: memref<1000x128xf32, #tpu.memory_space<vmem>>, %arg2: memref<2x1000x128xf32, #tpu.memory_space<vmem>>, %arg3: memref<128x256xf32, #tpu.memory_space<vmem>>, %arg4: memref<1x256xf32, #tpu.memory_space<vmem>>, %arg5: memref<256x256xf32, #tpu.memory_space<vmem>>, %arg6: memref<1x256xf32, #tpu.memory_space<vmem>>, %arg7: memref<2x1000x128xf32, #tpu.memory_space<vmem>>) attributes {dimension_semantics = [#tpu.dimension_semantics<arbitrary>], iteration_bounds = array<i64: 10>, scalar_prefetch = 0 : i64, scratch_operands = 0 : i64, tpu.core_type = #tpu.core_type<tc>, window_params = [{transform_indices = @transform_0, window_bounds = array<i64: 1000, 128>}, {transform_indices = @transform_1, window_bounds = array<i64: 2, 1000, 128>}, {pipeline_mode = #tpu.pipeline_mode<synchronous>, transform_indices = @transform_2, window_bounds = array<i64: 128, 256>}, {pipeline_mode = #tpu.pipeline_mode<synchronous>, transform_indices = @transform_3, window_bounds = array<i64: 1, 256>}, {pipeline_mode = #tpu.pipeline_mode<synchronous>, transform_indices = @transform_4, window_bounds = array<i64: 256, 256>}, {pipeline_mode = #tpu.pipeline_mode<synchronous>, transform_indices = @transform_5, window_bounds = array<i64: 1, 256>}, {transform_indices = @transform_6, window_bounds = array<i64: 2, 1000, 128>}]} {
    %get3A = arith.constant 0 : index
    %get3A_0 = arith.constant 0 : index
    %get3A_1 = vector.load %arg1[%get3A, %get3A_0] : memref<1000x128xf32, #tpu.memory_space<vmem>>, vector<1000x128xf32>
    %get3A_2 = arith.constant 0 : index
    %get3A_3 = arith.constant 0 : index
    %get3A_4 = arith.constant 0 : index
    %get3A_5 = vector.load %arg2[%get3A_2, %get3A_3, %get3A_4] : memref<2x1000x128xf32, #tpu.memory_space<vmem>>, vector<1x1000x128xf32>
    %get3A_6 = vector.shape_cast %get3A_5 : vector<1x1000x128xf32> to vector<1000x128xf32>
    %add3A = arith.addf %get3A_1, %get3A_6 : vector<1000x128xf32>
    %get3A_7 = arith.constant 1 : index
    %get3A_8 = arith.constant 0 : index
    %get3A_9 = arith.constant 0 : index
    %get3A_10 = vector.load %arg2[%get3A_7, %get3A_8, %get3A_9] : memref<2x1000x128xf32, #tpu.memory_space<vmem>>, vector<1x1000x128xf32>
    %get3A_11 = vector.shape_cast %get3A_10 : vector<1x1000x128xf32> to vector<1000x128xf32>
    %add3A_12 = arith.addf %add3A, %get3A_11 : vector<1000x128xf32>
    %get3A_13 = arith.constant 0 : index
    %get3A_14 = arith.constant 0 : index
    %get3A_15 = vector.load %arg3[%get3A_13, %get3A_14] : memref<128x256xf32, #tpu.memory_space<vmem>>, vector<128x256xf32>
    %dot_general3A = arith.constant dense<0.000000e+00> : vector<1000x256xf32>
    %dot_general3A_16 = tpu.matmul %add3A_12, %get3A_15, %dot_general3A {dimension_numbers = #tpu.dot_dimension_numbers<[1], [0], [0], [1], [0, 0, 1, 1], [], []>, transpose_lhs_hint = false} : vector<1000x128xf32>, vector<128x256xf32>, vector<1000x256xf32> -> vector<1000x256xf32>
    %get3A_17 = arith.constant 0 : index
    %get3A_18 = arith.constant 0 : index
    %get3A_19 = vector.load %arg4[%get3A_17, %get3A_18] : memref<1x256xf32, #tpu.memory_space<vmem>>, vector<1x256xf32>
    %add3A_20 = vector.broadcast %get3A_19 : vector<1x256xf32> to vector<1000x256xf32>
    %add3A_21 = arith.addf %dot_general3A_16, %add3A_20 : vector<1000x256xf32>
    %max3A = arith.constant 0.000000e+00 : f32
    %max3A_22 = vector.broadcast %max3A : f32 to vector<1000x256xf32>
    %max3A_23 = arith.maximumf %add3A_21, %max3A_22 : vector<1000x256xf32>
    %get3A_24 = arith.constant 0 : index
    %get3A_25 = arith.constant 0 : index
    %get3A_26 = vector.load %arg5[%get3A_24, %get3A_25] : memref<256x256xf32, #tpu.memory_space<vmem>>, vector<256x256xf32>
    %dot_general3A_27 = arith.constant dense<0.000000e+00> : vector<1000x256xf32>
    %dot_general3A_28 = tpu.matmul %max3A_23, %get3A_26, %dot_general3A_27 {dimension_numbers = #tpu.dot_dimension_numbers<[1], [0], [0], [1], [0, 0, 1, 1], [], []>, transpose_lhs_hint = false} : vector<1000x256xf32>, vector<256x256xf32>, vector<1000x256xf32> -> vector<1000x256xf32>
    %get3A_29 = arith.constant 0 : index
    %get3A_30 = arith.constant 0 : index
    %get3A_31 = vector.load %arg6[%get3A_29, %get3A_30] : memref<1x256xf32, #tpu.memory_space<vmem>>, vector<1x256xf32>
    %add3A_32 = vector.broadcast %get3A_31 : vector<1x256xf32> to vector<1000x256xf32>
    %add3A_33 = arith.addf %dot_general3A_28, %add3A_32 : vector<1000x256xf32>
    %ge3A = arith.constant 0.000000e+00 : f32
    %ge3A_34 = vector.broadcast %ge3A : f32 to vector<1000x256xf32>
    %ge3A_35 = arith.cmpf oge, %add3A_33, %ge3A_34 : vector<1000x256xf32>
    %mul3A = arith.constant 0.00999999977 : f32
    %mul3A_36 = vector.broadcast %mul3A : f32 to vector<1000x256xf32>
    %mul3A_37 = arith.mulf %mul3A_36, %add3A_33 : vector<1000x256xf32>
    %select_n3A = arith.select %ge3A_35, %add3A_33, %mul3A_37 : vector<1000x256xi1>, vector<1000x256xf32>
    %slice3A = vector.extract_strided_slice %select_n3A {offsets = [0, 0], sizes = [1000, 128], strides = [1, 1]} : vector<1000x256xf32> to vector<1000x128xf32>
    %swap3A = arith.constant 0 : index
    %swap3A_38 = arith.constant 0 : index
    %swap3A_39 = arith.constant 0 : index
    %swap3A_40 = vector.load %arg7[%swap3A, %swap3A_38, %swap3A_39] : memref<2x1000x128xf32, #tpu.memory_space<vmem>>, vector<1x1000x128xf32>
    %swap3A_41 = vector.shape_cast %swap3A_40 : vector<1x1000x128xf32> to vector<1000x128xf32>
    %swap3A_42 = vector.shape_cast %slice3A : vector<1000x128xf32> to vector<1x1000x128xf32>
    tpu.vector_store %arg7[%swap3A, %swap3A_38, %swap3A_39], %swap3A_42 {strides = array<i32>} : memref<2x1000x128xf32, #tpu.memory_space<vmem>>, vector<1x1000x128xf32>,
    %slice3A_43 = vector.extract_strided_slice %select_n3A {offsets = [0, 128], sizes = [1000, 128], strides = [1, 1]} : vector<1000x256xf32> to vector<1000x128xf32>
    %swap3A_44 = arith.constant 1 : index
    %swap3A_45 = arith.constant 0 : index
    %swap3A_46 = arith.constant 0 : index
    %swap3A_47 = vector.load %arg7[%swap3A_44, %swap3A_45, %swap3A_46] : memref<2x1000x128xf32, #tpu.memory_space<vmem>>, vector<1x1000x128xf32>
    %swap3A_48 = vector.shape_cast %swap3A_47 : vector<1x1000x128xf32> to vector<1000x128xf32>
    %swap3A_49 = vector.shape_cast %slice3A_43 : vector<1000x128xf32> to vector<1x1000x128xf32>
    tpu.vector_store %arg7[%swap3A_44, %swap3A_45, %swap3A_46], %swap3A_49 {strides = array<i32>} : memref<2x1000x128xf32, #tpu.memory_space<vmem>>, vector<1x1000x128xf32>,
    return
  }
  func.func @transform_0(%arg0: i32) -> (i32, i32) {
    %c0_i32 = arith.constant 0 : i32
    %c0_i32_0 = arith.constant 0 : i32
    return %arg0, %c0_i32 : i32, i32
  }
  func.func @transform_1(%arg0: i32) -> (i32, i32, i32) {
    %c0_i32 = arith.constant 0 : i32
    %c0_i32_0 = arith.constant 0 : i32
    %c0_i32_1 = arith.constant 0 : i32
    return %c0_i32, %arg0, %c0_i32_0 : i32, i32, i32
  }
  func.func @transform_2(%arg0: i32) -> (i32, i32) {
    %c0_i32 = arith.constant 0 : i32
    %c0_i32_0 = arith.constant 0 : i32
    %c0_i32_1 = arith.constant 0 : i32
    return %c0_i32, %c0_i32_0 : i32, i32
  }
  func.func @transform_3(%arg0: i32) -> (i32, i32) {
    %c0_i32 = arith.constant 0 : i32
    %c0_i32_0 = arith.constant 0 : i32
    %c0_i32_1 = arith.constant 0 : i32
    return %c0_i32, %c0_i32_0 : i32, i32
  }
  func.func @transform_4(%arg0: i32) -> (i32, i32) {
    %c0_i32 = arith.constant 0 : i32
    %c0_i32_0 = arith.constant 0 : i32
    %c0_i32_1 = arith.constant 0 : i32
    return %c0_i32, %c0_i32_0 : i32, i32
  }
  func.func @transform_5(%arg0: i32) -> (i32, i32) {
    %c0_i32 = arith.constant 0 : i32
    %c0_i32_0 = arith.constant 0 : i32
    %c0_i32_1 = arith.constant 0 : i32
    return %c0_i32, %c0_i32_0 : i32, i32
  }
  func.func @transform_6(%arg0: i32) -> (i32, i32, i32) {
    %c0_i32 = arith.constant 0 : i32
    %c0_i32_0 = arith.constant 0 : i32
    %c0_i32_1 = arith.constant 0 : i32
    return %c0_i32, %arg0, %c0_i32_0 : i32, i32, i32
  }
}

module attributes {stable_mosaic.version = 14 : i64} {
  func.func @_mlp2_body(%arg0: i32, %arg1: memref<2x1000x128xf32, #tpu.memory_space<vmem>>, %arg2: memref<2x1000x128xf32, #tpu.memory_space<vmem>>, %arg3: memref<1x1x1000xi32, #tpu.memory_space<vmem>>, %arg4: memref<256x256xf32, #tpu.memory_space<vmem>>, %arg5: memref<1x256xf32, #tpu.memory_space<vmem>>, %arg6: memref<256x256xf32, #tpu.memory_space<vmem>>, %arg7: memref<1x256xf32, #tpu.memory_space<vmem>>, %arg8: memref<256x128xf32, #tpu.memory_space<vmem>>, %arg9: memref<1x128xf32, #tpu.memory_space<vmem>>, %arg10: memref<128x128xf32, #tpu.memory_space<vmem>>, %arg11: memref<1x128xf32, #tpu.memory_space<vmem>>, %arg12: memref<128x10xf32, #tpu.memory_space<vmem>>, %arg13: memref<1x10xf32, #tpu.memory_space<vmem>>, %arg14: memref<64x10xf32, #tpu.memory_space<vmem>>, %arg15: memref<64x256xf32, #tpu.memory_space<vmem>>, %arg16: memref<64x1xf32, #tpu.memory_space<vmem>>) attributes {dimension_semantics = [#tpu.dimension_semantics<arbitrary>], iteration_bounds = array<i64: 10>, scalar_prefetch = 0 : i64, scratch_operands = 2 : i64, tpu.core_type = #tpu.core_type<tc>, window_params = [{transform_indices = @transform_0, window_bounds = array<i64: 2, 1000, 128>}, {transform_indices = @transform_1, window_bounds = array<i64: 2, 1000, 128>}, {transform_indices = @transform_2, window_bounds = array<i64: 1, 1, 1000>}, {pipeline_mode = #tpu.pipeline_mode<synchronous>, transform_indices = @transform_3, window_bounds = array<i64: 256, 256>}, {pipeline_mode = #tpu.pipeline_mode<synchronous>, transform_indices = @transform_4, window_bounds = array<i64: 1, 256>}, {pipeline_mode = #tpu.pipeline_mode<synchronous>, transform_indices = @transform_5, window_bounds = array<i64: 256, 256>}, {pipeline_mode = #tpu.pipeline_mode<synchronous>, transform_indices = @transform_6, window_bounds = array<i64: 1, 256>}, {pipeline_mode = #tpu.pipeline_mode<synchronous>, transform_indices = @transform_7, window_bounds = array<i64: 256, 128>}, {pipeline_mode = #tpu.pipeline_mode<synchronous>, transform_indices = @transform_8, window_bounds = array<i64: 1, 128>}, {pipeline_mode = #tpu.pipeline_mode<synchronous>, transform_indices = @transform_9, window_bounds = array<i64: 128, 128>}, {pipeline_mode = #tpu.pipeline_mode<synchronous>, transform_indices = @transform_10, window_bounds = array<i64: 1, 128>}, {pipeline_mode = #tpu.pipeline_mode<synchronous>, transform_indices = @transform_11, window_bounds = array<i64: 128, 10>}, {pipeline_mode = #tpu.pipeline_mode<synchronous>, transform_indices = @transform_12, window_bounds = array<i64: 1, 10>}, {pipeline_mode = #tpu.pipeline_mode<synchronous>, transform_indices = @transform_13, window_bounds = array<i64: 64, 10>}]} {
    %get3A = arith.constant 0 : index
    %get3A_0 = arith.constant 0 : index
    %get3A_1 = arith.constant 0 : index
    %get3A_2 = vector.load %arg1[%get3A, %get3A_0, %get3A_1] : memref<2x1000x128xf32, #tpu.memory_space<vmem>>, vector<1x1000x128xf32>
    %get3A_3 = vector.shape_cast %get3A_2 : vector<1x1000x128xf32> to vector<1000x128xf32>
    %get3A_4 = arith.constant 0 : index
    %get3A_5 = arith.constant 0 : index
    %get3A_6 = arith.constant 0 : index
    %get3A_7 = vector.load %arg2[%get3A_4, %get3A_5, %get3A_6] : memref<2x1000x128xf32, #tpu.memory_space<vmem>>, vector<1x1000x128xf32>
    %get3A_8 = vector.shape_cast %get3A_7 : vector<1x1000x128xf32> to vector<1000x128xf32>
    %add3A = arith.addf %get3A_3, %get3A_8 : vector<1000x128xf32>
    %get3A_9 = arith.constant 1 : index
    %get3A_10 = arith.constant 0 : index
    %get3A_11 = arith.constant 0 : index
    %get3A_12 = vector.load %arg1[%get3A_9, %get3A_10, %get3A_11] : memref<2x1000x128xf32, #tpu.memory_space<vmem>>, vector<1x1000x128xf32>
    %get3A_13 = vector.shape_cast %get3A_12 : vector<1x1000x128xf32> to vector<1000x128xf32>
    %get3A_14 = arith.constant 1 : index
    %get3A_15 = arith.constant 0 : index
    %get3A_16 = arith.constant 0 : index
    %get3A_17 = vector.load %arg2[%get3A_14, %get3A_15, %get3A_16] : memref<2x1000x128xf32, #tpu.memory_space<vmem>>, vector<1x1000x128xf32>
    %get3A_18 = vector.shape_cast %get3A_17 : vector<1x1000x128xf32> to vector<1000x128xf32>
    %add3A_19 = arith.addf %get3A_13, %get3A_18 : vector<1000x128xf32>
    %concatenate3A = tpu.concatenate %add3A, %add3A_19 in 1 : vector<1000x128xf32>, vector<1000x128xf32> -> vector<1000x256xf32>
    %get3A_20 = arith.constant 0 : index
    %get3A_21 = arith.constant 0 : index
    %get3A_22 = vector.load %arg4[%get3A_20, %get3A_21] : memref<256x256xf32, #tpu.memory_space<vmem>>, vector<256x256xf32>
    %dot_general3A = arith.constant dense<0.000000e+00> : vector<1000x256xf32>
    %dot_general3A_23 = tpu.matmul %concatenate3A, %get3A_22, %dot_general3A {dimension_numbers = #tpu.dot_dimension_numbers<[1], [0], [0], [1], [0, 0, 1, 1], [], []>, transpose_lhs_hint = false} : vector<1000x256xf32>, vector<256x256xf32>, vector<1000x256xf32> -> vector<1000x256xf32>
    %get3A_24 = arith.constant 0 : index
    %get3A_25 = arith.constant 0 : index
    %get3A_26 = vector.load %arg5[%get3A_24, %get3A_25] : memref<1x256xf32, #tpu.memory_space<vmem>>, vector<1x256xf32>
    %add3A_27 = vector.broadcast %get3A_26 : vector<1x256xf32> to vector<1000x256xf32>
    %add3A_28 = arith.addf %dot_general3A_23, %add3A_27 : vector<1000x256xf32>
    %max3A = arith.constant 0.000000e+00 : f32
    %max3A_29 = vector.broadcast %max3A : f32 to vector<1000x256xf32>
    %max3A_30 = arith.maximumf %add3A_28, %max3A_29 : vector<1000x256xf32>
    %get3A_31 = arith.constant 0 : index
    %get3A_32 = arith.constant 0 : index
    %get3A_33 = vector.load %arg6[%get3A_31, %get3A_32] : memref<256x256xf32, #tpu.memory_space<vmem>>, vector<256x256xf32>
    %dot_general3A_34 = arith.constant dense<0.000000e+00> : vector<1000x256xf32>
    %dot_general3A_35 = tpu.matmul %max3A_30, %get3A_33, %dot_general3A_34 {dimension_numbers = #tpu.dot_dimension_numbers<[1], [0], [0], [1], [0, 0, 1, 1], [], []>, transpose_lhs_hint = false} : vector<1000x256xf32>, vector<256x256xf32>, vector<1000x256xf32> -> vector<1000x256xf32>
    %get3A_36 = arith.constant 0 : index
    %get3A_37 = arith.constant 0 : index
    %get3A_38 = vector.load %arg7[%get3A_36, %get3A_37] : memref<1x256xf32, #tpu.memory_space<vmem>>, vector<1x256xf32>
    %add3A_39 = vector.broadcast %get3A_38 : vector<1x256xf32> to vector<1000x256xf32>
    %add3A_40 = arith.addf %dot_general3A_35, %add3A_39 : vector<1000x256xf32>
    %ge3A = arith.constant 0.000000e+00 : f32
    %ge3A_41 = vector.broadcast %ge3A : f32 to vector<1000x256xf32>
    %ge3A_42 = arith.cmpf oge, %add3A_40, %ge3A_41 : vector<1000x256xf32>
    %mul3A = arith.constant 0.00999999977 : f32
    %mul3A_43 = vector.broadcast %mul3A : f32 to vector<1000x256xf32>
    %mul3A_44 = arith.mulf %mul3A_43, %add3A_40 : vector<1000x256xf32>
    %select_n3A = arith.select %ge3A_42, %add3A_40, %mul3A_44 : vector<1000x256xi1>, vector<1000x256xf32>
    %get3A_45 = arith.constant 0 : index
    %get3A_46 = arith.constant 0 : index
    %get3A_47 = arith.constant 0 : index
    %get3A_48 = vector.load %arg3[%get3A_45, %get3A_46, %get3A_47] : memref<1x1x1000xi32, #tpu.memory_space<vmem>>, vector<1x1x1000xi32>
    %get3A_49 = vector.shape_cast %get3A_48 : vector<1x1x1000xi32> to vector<1000xi32>
    %broadcast_in_dim3A = vector.shape_cast %get3A_49 : vector<1000xi32> to vector<1000x1xi32>
    %iota3A = tpu.iota {dimensions = array<i32: 1>} : vector<1000x64xi32>
    %eq3A = vector.broadcast %broadcast_in_dim3A : vector<1000x1xi32> to vector<1000x64xi32>
    %eq3A_50 = arith.cmpi eq, %eq3A, %iota3A : vector<1000x64xi32>
    %convert_element_type3A = arith.extui %eq3A_50 : vector<1000x64xi1> to vector<1000x64xi32>
    %convert_element_type3A_51 = arith.sitofp %convert_element_type3A : vector<1000x64xi32> to vector<1000x64xf32>
    %dot_general3A_52 = arith.constant dense<0.000000e+00> : vector<64x256xf32>
    %dot_general3A_53 = tpu.matmul %convert_element_type3A_51, %select_n3A, %dot_general3A_52 {dimension_numbers = #tpu.dot_dimension_numbers<[0], [0], [1], [1], [0, 1, 1, 1], [], []>, transpose_lhs_hint = false} : vector<1000x64xf32>, vector<1000x256xf32>, vector<64x256xf32> -> vector<64x256xf32>
    %broadcast_in_dim3A_54 = arith.constant 1.000000e+00 : f32
    %broadcast_in_dim3A_55 = vector.broadcast %broadcast_in_dim3A_54 : f32 to vector<1000x1xf32>
    %dot_general3A_56 = arith.constant dense<0.000000e+00> : vector<64x1xf32>
    %dot_general3A_57 = tpu.matmul %convert_element_type3A_51, %broadcast_in_dim3A_55, %dot_general3A_56 {dimension_numbers = #tpu.dot_dimension_numbers<[0], [0], [1], [1], [0, 1, 1, 1], [], []>, transpose_lhs_hint = false} : vector<1000x64xf32>, vector<1000x1xf32>, vector<64x1xf32> -> vector<64x1xf32>
    %eq3A_58 = arith.constant 0 : i32
    %eq3A_59 = arith.cmpi eq, %arg0, %eq3A_58 : i32
    %convert_element_type3A_60 = arith.extui %eq3A_59 : i1 to i32
    %cond3A = arith.constant 0 : i32
    %cond3A_61 = arith.cmpi ne, %convert_element_type3A_60, %cond3A : i32
    scf.if %cond3A_61 {
      %swap3A = arith.constant 0 : index
      %swap3A_71 = arith.constant 0 : index
      %swap3A_72 = vector.load %arg15[%swap3A, %swap3A_71] : memref<64x256xf32, #tpu.memory_space<vmem>>, vector<64x256xf32>
      tpu.vector_store %arg15[%swap3A, %swap3A_71], %dot_general3A_53 {strides = array<i32>} : memref<64x256xf32, #tpu.memory_space<vmem>>, vector<64x256xf32>,
      %swap3A_73 = arith.constant 0 : index
      %swap3A_74 = arith.constant 0 : index
      %swap3A_75 = vector.load %arg16[%swap3A_73, %swap3A_74] : memref<64x1xf32, #tpu.memory_space<vmem>>, vector<64x1xf32>
      tpu.vector_store %arg16[%swap3A_73, %swap3A_74], %dot_general3A_57 {strides = array<i32>} : memref<64x1xf32, #tpu.memory_space<vmem>>, vector<64x1xf32>,
    } else {
    }
    %ne3A = arith.constant 0 : i32
    %ne3A_62 = arith.cmpi ne, %arg0, %ne3A : i32
    %convert_element_type3A_63 = arith.extui %ne3A_62 : i1 to i32
    %cond3A_64 = arith.constant 0 : i32
    %cond3A_65 = arith.cmpi ne, %convert_element_type3A_63, %cond3A_64 : i32
    scf.if %cond3A_65 {
      %get3A_71 = arith.constant 0 : index
      %get3A_72 = arith.constant 0 : index
      %get3A_73 = vector.load %arg15[%get3A_71, %get3A_72] : memref<64x256xf32, #tpu.memory_space<vmem>>, vector<64x256xf32>
      %add3A_74 = arith.addf %get3A_73, %dot_general3A_53 : vector<64x256xf32>
      %swap3A = arith.constant 0 : index
      %swap3A_75 = arith.constant 0 : index
      %swap3A_76 = vector.load %arg15[%swap3A, %swap3A_75] : memref<64x256xf32, #tpu.memory_space<vmem>>, vector<64x256xf32>
      tpu.vector_store %arg15[%swap3A, %swap3A_75], %add3A_74 {strides = array<i32>} : memref<64x256xf32, #tpu.memory_space<vmem>>, vector<64x256xf32>,
      %get3A_77 = arith.constant 0 : index
      %get3A_78 = arith.constant 0 : index
      %get3A_79 = vector.load %arg16[%get3A_77, %get3A_78] : memref<64x1xf32, #tpu.memory_space<vmem>>, vector<64x1xf32>
      %add3A_80 = arith.addf %get3A_79, %dot_general3A_57 : vector<64x1xf32>
      %swap3A_81 = arith.constant 0 : index
      %swap3A_82 = arith.constant 0 : index
      %swap3A_83 = vector.load %arg16[%swap3A_81, %swap3A_82] : memref<64x1xf32, #tpu.memory_space<vmem>>, vector<64x1xf32>
      tpu.vector_store %arg16[%swap3A_81, %swap3A_82], %add3A_80 {strides = array<i32>} : memref<64x1xf32, #tpu.memory_space<vmem>>, vector<64x1xf32>,
    } else {
    }
    %eq3A_66 = arith.constant 9 : i32
    %eq3A_67 = arith.cmpi eq, %arg0, %eq3A_66 : i32
    %convert_element_type3A_68 = arith.extui %eq3A_67 : i1 to i32
    %cond3A_69 = arith.constant 0 : i32
    %cond3A_70 = arith.cmpi ne, %convert_element_type3A_68, %cond3A_69 : i32
    scf.if %cond3A_70 {
      %get3A_71 = arith.constant 0 : index
      %get3A_72 = arith.constant 0 : index
      %get3A_73 = vector.load %arg16[%get3A_71, %get3A_72] : memref<64x1xf32, #tpu.memory_space<vmem>>, vector<64x1xf32>
      %max3A_74 = arith.constant 1.000000e+00 : f32
      %max3A_75 = vector.broadcast %max3A_74 : f32 to vector<64x1xf32>
      %max3A_76 = arith.maximumf %get3A_73, %max3A_75 : vector<64x1xf32>
      %get3A_77 = arith.constant 0 : index
      %get3A_78 = arith.constant 0 : index
      %get3A_79 = vector.load %arg15[%get3A_77, %get3A_78] : memref<64x256xf32, #tpu.memory_space<vmem>>, vector<64x256xf32>
      %div3A = vector.broadcast %max3A_76 : vector<64x1xf32> to vector<64x256xf32>
      %div3A_80 = arith.divf %get3A_79, %div3A : vector<64x256xf32>
      %get3A_81 = arith.constant 0 : index
      %get3A_82 = arith.constant 0 : index
      %get3A_83 = vector.load %arg8[%get3A_81, %get3A_82] : memref<256x128xf32, #tpu.memory_space<vmem>>, vector<256x128xf32>
      %dot_general3A_84 = arith.constant dense<0.000000e+00> : vector<64x128xf32>
      %dot_general3A_85 = tpu.matmul %div3A_80, %get3A_83, %dot_general3A_84 {dimension_numbers = #tpu.dot_dimension_numbers<[1], [0], [0], [1], [0, 0, 1, 1], [], []>, transpose_lhs_hint = false} : vector<64x256xf32>, vector<256x128xf32>, vector<64x128xf32> -> vector<64x128xf32>
      %get3A_86 = arith.constant 0 : index
      %get3A_87 = arith.constant 0 : index
      %get3A_88 = vector.load %arg9[%get3A_86, %get3A_87] : memref<1x128xf32, #tpu.memory_space<vmem>>, vector<1x128xf32>
      %add3A_89 = vector.broadcast %get3A_88 : vector<1x128xf32> to vector<64x128xf32>
      %add3A_90 = arith.addf %dot_general3A_85, %add3A_89 : vector<64x128xf32>
      %ge3A_91 = arith.constant 0.000000e+00 : f32
      %ge3A_92 = vector.broadcast %ge3A_91 : f32 to vector<64x128xf32>
      %ge3A_93 = arith.cmpf oge, %add3A_90, %ge3A_92 : vector<64x128xf32>
      %mul3A_94 = arith.constant 0.00999999977 : f32
      %mul3A_95 = vector.broadcast %mul3A_94 : f32 to vector<64x128xf32>
      %mul3A_96 = arith.mulf %mul3A_95, %add3A_90 : vector<64x128xf32>
      %select_n3A_97 = arith.select %ge3A_93, %add3A_90, %mul3A_96 : vector<64x128xi1>, vector<64x128xf32>
      %get3A_98 = arith.constant 0 : index
      %get3A_99 = arith.constant 0 : index
      %get3A_100 = vector.load %arg10[%get3A_98, %get3A_99] : memref<128x128xf32, #tpu.memory_space<vmem>>, vector<128x128xf32>
      %dot_general3A_101 = arith.constant dense<0.000000e+00> : vector<64x128xf32>
      %dot_general3A_102 = tpu.matmul %select_n3A_97, %get3A_100, %dot_general3A_101 {dimension_numbers = #tpu.dot_dimension_numbers<[1], [0], [0], [1], [0, 0, 1, 1], [], []>, transpose_lhs_hint = false} : vector<64x128xf32>, vector<128x128xf32>, vector<64x128xf32> -> vector<64x128xf32>
      %get3A_103 = arith.constant 0 : index
      %get3A_104 = arith.constant 0 : index
      %get3A_105 = vector.load %arg11[%get3A_103, %get3A_104] : memref<1x128xf32, #tpu.memory_space<vmem>>, vector<1x128xf32>
      %add3A_106 = vector.broadcast %get3A_105 : vector<1x128xf32> to vector<64x128xf32>
      %add3A_107 = arith.addf %dot_general3A_102, %add3A_106 : vector<64x128xf32>
      %ge3A_108 = arith.constant 0.000000e+00 : f32
      %ge3A_109 = vector.broadcast %ge3A_108 : f32 to vector<64x128xf32>
      %ge3A_110 = arith.cmpf oge, %add3A_107, %ge3A_109 : vector<64x128xf32>
      %mul3A_111 = arith.constant 0.00999999977 : f32
      %mul3A_112 = vector.broadcast %mul3A_111 : f32 to vector<64x128xf32>
      %mul3A_113 = arith.mulf %mul3A_112, %add3A_107 : vector<64x128xf32>
      %select_n3A_114 = arith.select %ge3A_110, %add3A_107, %mul3A_113 : vector<64x128xi1>, vector<64x128xf32>
      %get3A_115 = arith.constant 0 : index
      %get3A_116 = arith.constant 0 : index
      %get3A_117 = vector.load %arg12[%get3A_115, %get3A_116] : memref<128x10xf32, #tpu.memory_space<vmem>>, vector<128x10xf32>
      %dot_general3A_118 = arith.constant dense<0.000000e+00> : vector<64x10xf32>
      %dot_general3A_119 = tpu.matmul %select_n3A_114, %get3A_117, %dot_general3A_118 {dimension_numbers = #tpu.dot_dimension_numbers<[1], [0], [0], [1], [0, 0, 1, 1], [], []>, transpose_lhs_hint = false} : vector<64x128xf32>, vector<128x10xf32>, vector<64x10xf32> -> vector<64x10xf32>
      %get3A_120 = arith.constant 0 : index
      %get3A_121 = arith.constant 0 : index
      %get3A_122 = vector.load %arg13[%get3A_120, %get3A_121] : memref<1x10xf32, #tpu.memory_space<vmem>>, vector<1x10xf32>
      %add3A_123 = vector.broadcast %get3A_122 : vector<1x10xf32> to vector<64x10xf32>
      %add3A_124 = arith.addf %dot_general3A_119, %add3A_123 : vector<64x10xf32>
      %swap3A = arith.constant 0 : index
      %swap3A_125 = arith.constant 0 : index
      %swap3A_126 = vector.load %arg14[%swap3A, %swap3A_125] : memref<64x10xf32, #tpu.memory_space<vmem>>, vector<64x10xf32>
      tpu.vector_store %arg14[%swap3A, %swap3A_125], %add3A_124 {strides = array<i32>} : memref<64x10xf32, #tpu.memory_space<vmem>>, vector<64x10xf32>,
    } else {
    }
    return
  }
  func.func @transform_0(%arg0: i32) -> (i32, i32, i32) {
    %c0_i32 = arith.constant 0 : i32
    %c0_i32_0 = arith.constant 0 : i32
    %c0_i32_1 = arith.constant 0 : i32
    return %c0_i32, %arg0, %c0_i32_0 : i32, i32, i32
  }
  func.func @transform_1(%arg0: i32) -> (i32, i32, i32) {
    %c0_i32 = arith.constant 0 : i32
    %c0_i32_0 = arith.constant 0 : i32
    %c0_i32_1 = arith.constant 0 : i32
    return %c0_i32, %arg0, %c0_i32_0 : i32, i32, i32
  }
  func.func @transform_2(%arg0: i32) -> (i32, i32, i32) {
    %c0_i32 = arith.constant 0 : i32
    %c0_i32_0 = arith.constant 0 : i32
    %c0_i32_1 = arith.constant 0 : i32
    return %arg0, %c0_i32, %c0_i32_0 : i32, i32, i32
  }
  func.func @transform_3(%arg0: i32) -> (i32, i32) {
    %c0_i32 = arith.constant 0 : i32
    %c0_i32_0 = arith.constant 0 : i32
    %c0_i32_1 = arith.constant 0 : i32
    return %c0_i32, %c0_i32_0 : i32, i32
  }
  func.func @transform_4(%arg0: i32) -> (i32, i32) {
    %c0_i32 = arith.constant 0 : i32
    %c0_i32_0 = arith.constant 0 : i32
    %c0_i32_1 = arith.constant 0 : i32
    return %c0_i32, %c0_i32_0 : i32, i32
  }
  func.func @transform_5(%arg0: i32) -> (i32, i32) {
    %c0_i32 = arith.constant 0 : i32
    %c0_i32_0 = arith.constant 0 : i32
    %c0_i32_1 = arith.constant 0 : i32
    return %c0_i32, %c0_i32_0 : i32, i32
  }
  func.func @transform_6(%arg0: i32) -> (i32, i32) {
    %c0_i32 = arith.constant 0 : i32
    %c0_i32_0 = arith.constant 0 : i32
    %c0_i32_1 = arith.constant 0 : i32
    return %c0_i32, %c0_i32_0 : i32, i32
  }
  func.func @transform_7(%arg0: i32) -> (i32, i32) {
    %c0_i32 = arith.constant 0 : i32
    %c0_i32_0 = arith.constant 0 : i32
    %c0_i32_1 = arith.constant 0 : i32
    return %c0_i32, %c0_i32_0 : i32, i32
  }
  func.func @transform_8(%arg0: i32) -> (i32, i32) {
    %c0_i32 = arith.constant 0 : i32
    %c0_i32_0 = arith.constant 0 : i32
    %c0_i32_1 = arith.constant 0 : i32
    return %c0_i32, %c0_i32_0 : i32, i32
  }
  func.func @transform_9(%arg0: i32) -> (i32, i32) {
    %c0_i32 = arith.constant 0 : i32
    %c0_i32_0 = arith.constant 0 : i32
    %c0_i32_1 = arith.constant 0 : i32
    return %c0_i32, %c0_i32_0 : i32, i32
  }
  func.func @transform_10(%arg0: i32) -> (i32, i32) {
    %c0_i32 = arith.constant 0 : i32
    %c0_i32_0 = arith.constant 0 : i32
    %c0_i32_1 = arith.constant 0 : i32
    return %c0_i32, %c0_i32_0 : i32, i32
  }
  func.func @transform_11(%arg0: i32) -> (i32, i32) {
    %c0_i32 = arith.constant 0 : i32
    %c0_i32_0 = arith.constant 0 : i32
    %c0_i32_1 = arith.constant 0 : i32
    return %c0_i32, %c0_i32_0 : i32, i32
  }
  func.func @transform_12(%arg0: i32) -> (i32, i32) {
    %c0_i32 = arith.constant 0 : i32
    %c0_i32_0 = arith.constant 0 : i32
    %c0_i32_1 = arith.constant 0 : i32
    return %c0_i32, %c0_i32_0 : i32, i32
  }
  func.func @transform_13(%arg0: i32) -> (i32, i32) {
    %c0_i32 = arith.constant 0 : i32
    %c0_i32_0 = arith.constant 0 : i32
    %c0_i32_1 = arith.constant 0 : i32
    return %c0_i32, %c0_i32_0 : i32, i32
  }
}

</mosaic_0001>

<sc_bundles>
// kernel: kernel.6.cloned.1.call-start
scs
__scs_entry_jumppad:
0x0: {  	(pc) =	sbr.rel $0x88, $3  }
0x1: {  	(tag) =	ssettag $0x0;
	lr =	simm.s32 $0x1  }
0x2: {  	[smem:$0x3F90] =	sst lr;
	_ =	strace $0xD0000000  }
0x3: {  	_ = 	snop  }
0x4: {  	_ = 	snop  }
0x5: {  	_ = 	snop  }
0x6: {  	_ = 	snop  }
0x7: {  	_ = 	snop  }
__scs_overlays_trampoline_lowered:
0x8: {  	[smem:$0x3F9F] =	sst s0  }
0x9: {  	[smem:$0x3FA0] =	sst s1  }
0xa: {  	[smem:$0x3FA1] =	sst s2  }
0xb: {  	[smem:$0x3FA2] =	sst s3  }
0xc: {  	[smem:$0x3FA3] =	sst s4  }
0xd: {  	[smem:$0x3FA4] =	sst s5  }
0xe: {  	[smem:$0x3FA5] =	sst s6  }
0xf: {  	[smem:$0x3FA6] =	sst s7  }
0x10: {  	[smem:$0x3FA7] =	sst s8  }
0x11: {  	[smem:$0x3FA8] =	sst s9;
	s0 =	simm.s32 @!p0 $0x0  }
0x12: {  	s1 =	sld [smem:$0x3F8E];
	s0 =	simm.s32 @p0 $0x1  }
0x13: {  	[smem:$0x3FA9] =	sst s0;
	s0 =	simm.s32 @!p1 $0x0  }
0x14: {  	s2 =	sld [smem:$0x3F8D];
	s0 =	simm.s32 @p1 $0x1  }
0x15: {  	[smem:$0x3FAA] =	sst s0;
	s0 =	simm.s32 @!p2 $0x0  }
0x16: {  	s3 =	sld [smem:$0x3FDB];
	s0 =	simm.s32 @p2 $0x1  }
0x17: {  	s4 =	simm.s32 $0x1BF5;
	[smem:$0x3FAC] =	sst s0  }
0x18: {  	s0 =	sld [smem:$0x3F8F];
	_ =	swait.ge [sflag:s4], $0x0  }
0x19: {  	s7 =	sld [smem:$0x3F90]  }
0x1a: {  	s8 =	sadd.s32 $0xFFFFE003, lr  }
0x1b: {  	s9 =	sadd.s32 $0xFFFFFEF7, lr;
	s5 =	simm.s32 $0xFFFFFFFF;
	p2 =	slt.u32 s8, $0xFFFFF086  }
0x1c: {  	p1 =	slt.u32 s9, $0xF7A;
	s5 =	simm.s32 @!p2 $0x0  }
0x1d: {  	s5 =	simm.s32 @p1 $0x1;
	p0 =	seq.s32 s7, s2  }
0x1e: {  	s7 =	smul.u32 @!p0 $0xF7A, s2;
	p2 =	seq.s32 @!p0 s5, $0x0  }
0x1f: {  	s9 =	smul.u32 $0xF7A, s1;
	s8 =	simm.s32 @!p0 $0x1BF5;
	p2 =	por !p2, p0  }
0x20: {  	[sflag:s8] =	ssyncset.s32 @!p0 $0xFFFFF086;
	s6 =	sadd.s32 @!p0 s3, s7;
	s7 =	simm.s32 @!p0 $0x108  }
0x21: {  	s3 =	sadd.s32 s3, s9;
	s6 =	sadd.s32 @!p0 $0x88, s6;
	s7 =	simm.s32 @p2 $0x1082  }
0x22: {  	[simem:s7], [sflag:s8] =	dma.local @!p0 [hbm:s6], $0xF7A  }
0x23: {  	s9 =	sor.u32 $0xD0000000, s2;
	s6 =	simm.s32 $0x108;
	_ =	swait.ge @!p0 [sflag:s8], $0x0  }
0x24: {  	s3 =	sadd.s32 $0x88, s3;
	s6 =	simm.s32 @!p1 $0x1082;
	[sflag:s4] =	ssyncset.s32 $0xFFFFF086  }
0x25: {  	[simem:s6], [sflag:s4] =	dma.local [hbm:s3], $0xF7A  }
0x26: {  	[smem:$0x3F90] =	sst s1;
	(tag) =	ssettag s2;
	_ =	strace s9  }
0x27: {  	s1 =	sld [smem:$0x3FA0]  }
0x28: {  	s2 =	sld [smem:$0x3FA1]  }
0x29: {  	s4 =	sld [smem:$0x3FA3]  }
0x2a: {  	p0 =	seq.s32 s5, $0x0;
	s5 =	sld [smem:$0x3FA4]  }
0x2b: {  	s6 =	sld [smem:$0x3FA5]  }
0x2c: {  	s7 =	sld [smem:$0x3FA6]  }
0x2d: {  	s3 =	simm.s32 $0x108;
	s8 =	sld [smem:$0x3FA7]  }
0x2e: {  	s3 =	simm.s32 @!p0 $0x1082;
	s9 =	sld [smem:$0x3FA8]  }
0x2f: {  	lr =	sadd.s32 s0, s3;
	s0 =	sld [smem:$0x3F9F]  }
0x30: {  	s3 =	sld [smem:$0x3FA2]  }
0x31: {  	[smem:$0x3FAB] =	sst s10  }
0x32: {  	s10 =	sld [smem:$0x3FA9];
	_ =	sdelay $0x3  }
0x33: {  	p0 =	seq.s32 s10, $0x1;
	s10 =	sld [smem:$0x3FAB];
	_ =	sdelay $0x3  }
0x34: {  	[smem:$0x3FAB] =	sst s10  }
0x35: {  	s10 =	sld [smem:$0x3FAA];
	_ =	sdelay $0x3  }
0x36: {  	p1 =	seq.s32 s10, $0x1;
	s10 =	sld [smem:$0x3FAB];
	_ =	sdelay $0x3  }
0x37: {  	[smem:$0x3FAB] =	sst s10  }
0x38: {  	s10 =	sld [smem:$0x3FAC]  }
0x39: {  	_ = 	snop;
	(pc) =	sbr.ind lr, $3  }
0x3a: {  	_ = 	snop  }
0x3b: {  	_ = 	snop  }
0x3c: {  	p2 =	seq.s32 s10, $0x1;
	s10 =	sld [smem:$0x3FAB]  }
0x3d: {  	_ =	shalt  }
0x3e: {  	_ =	shalt  }
0x3f: {  	_ =	shalt  }
0x40: {  	_ =	shalt  }
0x41: {  	_ =	shalt  }
0x42: {  	_ =	shalt  }
0x43: {  	_ =	shalt  }
0x44: {  	_ =	shalt  }
0x45: {  	_ =	shalt  }
0x46: {  	_ =	shalt  }
0x47: {  	_ =	shalt  }
0x48: {  	_ =	shalt  }
0x49: {  	_ =	shalt  }
0x4a: {  	_ =	shalt  }
0x4b: {  	_ =	shalt  }
0x4c: {  	_ =	shalt  }
0x4d: {  	_ =	shalt  }
0x4e: {  	_ =	shalt  }
0x4f: {  	_ =	shalt  }
0x50: {  	_ =	shalt  }
0x51: {  	_ =	shalt  }
0x52: {  	_ =	shalt  }
0x53: {  	_ =	shalt  }
0x54: {  	_ =	shalt  }
0x55: {  	_ =	shalt  }
0x56: {  	_ =	shalt  }
0x57: {  	_ =	shalt  }
0x58: {  	_ =	shalt  }
0x59: {  	_ =	shalt  }
0x5a: {  	_ =	shalt  }
0x5b: {  	_ =	shalt  }
0x5c: {  	_ =	shalt  }
0x5d: {  	_ =	shalt  }
0x5e: {  	_ =	shalt  }
0x5f: {  	_ =	shalt  }
0x60: {  	_ =	shalt  }
0x61: {  	_ =	shalt  }
0x62: {  	_ =	shalt  }
0x63: {  	_ =	shalt  }
0x64: {  	_ =	shalt  }
0x65: {  	_ =	shalt  }
0x66: {  	_ =	shalt  }
0x67: {  	_ =	shalt  }
0x68: {  	_ =	shalt  }
0x69: {  	_ =	shalt  }
0x6a: {  	_ =	shalt  }
0x6b: {  	_ =	shalt  }
0x6c: {  	_ =	shalt  }
0x6d: {  	_ =	shalt  }
0x6e: {  	_ =	shalt  }
0x6f: {  	_ =	shalt  }
0x70: {  	_ =	shalt  }
0x71: {  	_ =	shalt  }
0x72: {  	_ =	shalt  }
0x73: {  	_ =	shalt  }
0x74: {  	_ =	shalt  }
0x75: {  	_ =	shalt  }
0x76: {  	_ =	shalt  }
0x77: {  	_ =	shalt  }
0x78: {  	_ =	shalt  }
0x79: {  	_ =	shalt  }
0x7a: {  	_ =	shalt  }
0x7b: {  	_ =	shalt  }
0x7c: {  	_ =	shalt  }
0x7d: {  	_ =	shalt  }
0x7e: {  	_ =	shalt  }
0x7f: {  	_ =	shalt  }
0x80: {  	_ =	shalt  }
0x81: {  	_ =	shalt  }
0x82: {  	_ =	shalt  }
0x83: {  	_ =	shalt  }
0x84: {  	_ =	shalt  }
0x85: {  	_ =	shalt  }
0x86: {  	_ =	shalt  }
0x87: {  	_ =	shalt  }
.Lfunc_end0:
.L_simem_size_0:
called_computation_lowered:
.L_overlay_start_0:
0x88: {  	s2 =	sld [smem:$0x3FD9]  }
0x89: {  	s3 =	sld [smem:$0x3FFE];
	_ =	sdelay $0x1  }
0x8a: {  	s1 =	srdreg.scid  }
0x8b: {  	s0 =	sand.u32 $0x1, s1  }
0x8c: {  	s17 =	sshll.u32 s0, $0xA;
	s2 =	sadd.s32 s3, s2  }
0x8d: {  	s2 =	sadd.s32 s2, s17  }
0x8e: {  	[smem:$0x3FB7] =	sst s2  }
0x8f: {  	_ = 	snop  }
0x90: {  	s2 =	sld [smem:$0x3FC9];
	(tm) =	ssettm $0x1  }
0x91: {  	s18 =	sld [smem:$0x3FFB];
	_ =	sdelay $0x3  }
0x92: {  	_ =	strace s18  }
0x93: {  	s3 =	sld [smem:$0x3FFC];
	_ =	sdelay $0x3  }
0x94: {  	_ =	strace s3  }
0x95: {  	s3 =	sld [smem:$0x3FFD];
	_ =	sdelay $0x3  }
0x96: {  	_ =	strace s3  }
0x97: {  	_ =	strace $0x8FFFFFFF  }
0x98: {  	s19 =	sld [smem:$0x3FDB];
	_ =	sdelay $0x1  }
0x99: {  	s4 =	simm.s32 $_scs_section_size  }
0x9a: {  	s5 =	simm.s32 $_size__tile_overlayer_lowered;
	s6 =	simm.s32 $_tile_overlayer_lowered  }
0x9b: {  	s22 =	simm.s32 $0x1BFF;
	s21 =	sshll.u32 s6, $0x1;
	s3 =	sadd.s32 s4, s19  }
0x9c: {  	s7 =	simm.s32 $0x0;
	s20 =	sshll.u32 s5, $0x1;
	s5 =	sadd.s32 s21, s3  }
0x9d: {  	[timem:s7], [sflag:s22] =	dma.local [hbm:s5], s20  }
0x9e: {  	_ =	swait.ge [sflag:s22], s20  }
0x9f: {  	s4 =	ssub.s32 $0x0, s20;
	[sflag:s22] =	ssyncset.done $0x0  }
0xa0: {  	[sflag:s22] =	ssyncadd.s32 s4;
	_ =	sdelay $0x1  }
0xa1: {  	s23 =	simm.s32 $0x1B8B  }
0xa2: {  	_ =	swait.ge [sflag:s23], $0x1  }
0xa3: {  	[sflag:s23] =	ssyncset.done $0x0  }
0xa4: {  	s25 =	simm.s32 $0x1B8E;
	s24 =	sld [smem:$0x3FFE];
	[sflag:s23] =	ssyncadd.s32 $0xFFFFFFFF  }
0xa5: {  	s26 =	simm.s32 $execute0_lowered;
	[smem:$0x3FD2] =	sst s25  }
0xa6: {  	s5 =	sshll.u32 s26, $0x1;
	_ =	strace $0x80000046;
	[dreg:$0x1] =	wrdreg $0xFFFFFFFF  }
0xa7: {  	s28 =	simm.s32 $_size_execute0_lowered;
	s3 =	sadd.s32 s3, s5;
	[dreg:$0x0] =	wrdreg $0x0  }
0xa8: {  	s5 =	sshll.u32 s28, $0x1;
	[dreg:$0x2] =	wrdreg s3  }
0xa9: {  	[dreg:$0x3] =	wrdreg s5  }
0xaa: {  	[dreg:$0x4] =	wrdreg $0xC0  }
0xab: {  	_ =	task [dreg:s7], $0x5FFFF  }
0xac: {  	[dreg:$0x1] =	wrdreg $0xFFFFFFFF  }
0xad: {  	[dreg:$0x0] =	wrdreg $0x60  }
0xae: {  	[dreg:$0x2] =	wrdreg s2  }
0xaf: {  	[dreg:$0x3] =	wrdreg s24  }
0xb0: {  	[dreg:$0x4] =	wrdreg $0x0  }
0xb1: {  	[dreg:$0x5] =	wrdreg $0x9  }
0xb2: {  	_ =	task.clear_ibuf [dreg:s7], $0x6FFFF;
	_ =	strace $0x90000046  }
0xb3: {  	s29 =	simm.s32 $0x9;
	_ =	strace $0x80000048  }
0xb4: {  	_ =	swait.ge [sflag:s29], $0x1  }
0xb5: {  	[sflag:s29] =	ssyncadd.s32 $0xFFFFFFFF  }
0xb6: {  	_ =	strace $0x90000048  }
0xb7: {  	_ =	sfence  }
0xb8: {  	s30 =	sld [smem:$0x0];
	_ =	sdelay $0x2  }
0xb9: {  	s31 =	sshll.u32 s1, $0xD;
	s1 =	sshrl.u32 s1, $0x2  }
0xba: {  	s3 =	sand.u32 $0x4000, s31;
	s1 =	sadd.s32 s1, s30  }
0xbb: {  	s0 =	sor.u32 s3, s0;
	s1 =	sshll.u32 s1, $0x11  }
0xbc: {  	s0 =	sor.u32 s1, s0  }
0xbd: {  	s0 =	sadd.s32 $0x8F2B, s0  }
0xbe: {  	[sflag:s0] =	ssyncadd.remote.s32 $0x1  }
0xbf: {  	_ =	sfence.sel $0xFFFF  }
0xc0: {  	[dreg:$0x0] =	wrdreg $0xFFFFFFFF;
	(pc) =	sbr.abs _section_cstart, $3  }
0xc1: {  	[dreg:$0x1] =	wrdreg $0xFFFFFFFF  }
0xc2: {  	_ =	task.clear_ibuf [dreg:s7], $0x2FFFF;
	_ =	strace $0x9FFFFFFF  }
0xc3: {  	(tm) =	ssettm $0x7FFFFFFF  }
tec
execute0_lowered:
.L_overlay_start_1:
0x0: {  	(tag) =	ssettag $0x1  }
0x1: {  	s1 =	rddreg [dreg:$0x0]  }
0x2: {  	s8 =	rddreg [dreg:$0x1]  }
0x3: {  	s0 =	srdreg.scid;
	s3 =	rddreg [dreg:$0x2]  }
0x4: {  	s2 =	rddreg [dreg:$0x3];
	s4 =	simm.s32 $0x0;
	s6 =	sand.u32 $0x1, s0  }
0x5: {  	s14 =	simm.s32 $0x14080;
	s0 =	stileid.u32;
	s5 =	smul.u32 $0x7D00, s6  }
0x6: {  	s15 =	simm.s32 $0x50;
	s16 =	simm.s32 $0x14100;
	s7 =	smul.u32 $0x7D0, s0  }
0x7: {  	s17 =	simm.s32 $0x1;
	[smem:$0x7FF] =	sst s4;
	s18 =	smul.u32 $0x2800, s0  }
0x8: {  	s9 =	smul.u32 $0x28000, s6;
	_ =	strace $0x80000047;
	s6 =	ssub.s32 $0x2, s6  }
0x9: {  	s30 =	smul.u32 $0x50000, s0;
	s31 =	sshll.u32 s0, $0x6;
	s12 =	sshrl.u32 s6, $0x1  }
0xa: {  	s5 =	sadd.s32 s7, s5;
	s11 =	sadd.s32 s18, s8;
	s9 =	sadd.s32 s9, s8  }
0xb: {  	s7 =	sshrl.u32 s30, $0x2;
	s12 =	ssub.s32 s6, s12;
	s10 =	sadd.s32 s5, s8  }
0xc: {  	s13 =	sadd.s32 s7, s3;
	s6 =	sadd.s32 $0x32400, s11;
	s7 =	sor.u32 $0x1C02, s31  }
0xd: {  	s8 =	sadd.s32 $0x22A00, s8;
	s19 =	sadd.s32 $0x5A400, s9;
	s9 =	smax.u32 s12, $0x1  }
0xe: {  	s12 =	simm.s32 $0x2;
	s10 =	sadd.s32 $0x3600, s10;
	s11 =	sshrl.u32 s13, $0x3  }
0xf: {  	s13 =	simm.s32 $0x14000;
	s18 =	sadd.s32 s18, s19;
	s19 =	simm.s32 $0x0  }
.LBB2_1:
0x10: {  	[spmem:s11], [sflag:s7] =	dma.local [hbm:s6], $0x2800  }
0x11: {  	_ =	swait.ge [sflag:s12], $0x2800  }
0x12: {  	[sflag:s12] =	ssyncset.done $0x0  }
0x13: {  	[sflag:s12] =	ssyncadd.s32 $0xFFFFD800  }
0x14: {  	s20 =	sadd.s32 $0x0, s5;
	s21 =	sadd.s32 $0x0, s10;
	[bflag:$0x0] =	sbarrier.arrive $0xFFFF  }
0x15: {  	[tilespmem:s13], [sflag:$0x2] =	stream.linear.gather [hbm4b:s21+s4], $0x80, $0x38;
	[tilespmem:$0x16900] =	vst v63  }
0x16: {  	s31 =	sand.u32 $0xFFFFF80, s20;
	_ =	swait.ge [sflag:s12], $0x80  }
0x17: {  	s20 =	sand.u32 $0x70, s20;
	s21 =	sadd.s32 s31, s8;
	[sflag:s12] =	ssyncset.done $0x0  }
0x18: {  	s20 =	sadd.s32 s20, s21;
	[sflag:s12] =	ssyncadd.s32 $0xFFFFFF80  }
0x19: {  	[tilespmem:s14], [sflag:$0x2] =	stream.linear.gather [hbm4b:s20+s4], $0x80, $0x38;
	[tilespmem:$0x16900] =	vst v63  }
0x1a: {  	_ =	swait.ge [sflag:s12], $0x80  }
0x1b: {  	[sflag:s12] =	ssyncset.done $0x0  }
0x1c: {  	[sflag:s12] =	ssyncadd.s32 $0xFFFFFF80  }
0x1d: {  	[tilespmem:s16], [sflag:$0x1] =	stream.indirect.gather [hbm4b:s1+s15], $0x80, s13, s15, $0xb8;
	[tilespmem:$0x16900] =	vst v63  }
0x1e: {  	_ =	swait.ge [sflag:s17], $0x2800  }
0x1f: {  	[sflag:s17] =	ssyncset.done $0x0  }
0x20: {  	[sflag:s17] =	ssyncadd.s32 $0xFFFFD800  }
0x21: {  	[spmem:s3] =	stream.indirect.scatter.add.f32 [tilespmem:s16], [sflag:$0x2], $0x80, s14, s15, $0xb8;
	[tilespmem:$0x16900] =	vst v63  }
0x22: {  	_ =	swait.ge [sflag:s12], $0x2800  }
0x23: {  	s21 =	simm.s32 $0x20;
	s20 =	simm.s32 $0x10;
	[sflag:s12] =	ssyncset.done $0x0  }
.LBB2_2:
0x24: {  	s22 =	sadd.s32 s20, s5  }
0x25: {  	s23 =	sadd.s32 s20, s10;
	[sflag:s12] =	ssyncadd.s32 $0xFFFFD800;
	s20 =	smov.u32 s21  }
0x26: {  	[tilespmem:s13], [sflag:$0x2] =	stream.linear.gather [hbm4b:s23+s4], $0x80, $0x38;
	[tilespmem:$0x16900] =	vst v63  }
0x27: {  	s23 =	sadd.s32 $0x10, s21;
	s24 =	sand.u32 $0xFFFFF80, s22;
	_ =	swait.ge [sflag:s12], $0x80  }
0x28: {  	s22 =	sand.u32 $0x70, s22;
	s24 =	sadd.s32 s24, s8;
	[sflag:s12] =	ssyncset.done $0x0  }
0x29: {  	p0 =	sne.s32 s21, $0x7C0;
	s21 =	sadd.s32 s22, s24;
	[sflag:s12] =	ssyncadd.s32 $0xFFFFFF80  }
0x2a: {  	[tilespmem:s14], [sflag:$0x2] =	stream.linear.gather [hbm4b:s21+s4], $0x80, $0x38;
	[tilespmem:$0x16900] =	vst v63  }
0x2b: {  	_ =	swait.ge [sflag:s12], $0x80  }
0x2c: {  	[sflag:s12] =	ssyncset.done $0x0  }
0x2d: {  	[sflag:s12] =	ssyncadd.s32 $0xFFFFFF80  }
0x2e: {  	[tilespmem:s16], [sflag:$0x1] =	stream.indirect.gather [hbm4b:s1+s15], $0x80, s13, s15, $0xb8;
	[tilespmem:$0x16900] =	vst v63  }
0x2f: {  	_ =	swait.ge [sflag:s17], $0x2800  }
.Ltmp0:
0x30: {  	[sflag:s17] =	ssyncset.done $0x0;
	(pc) =	sbr.rel @p0 .LBB2_2-.Ltmp0, $4  }
0x31: {  	[sflag:s17] =	ssyncadd.s32 $0xFFFFD800  }
0x32: {  	[spmem:s3] =	stream.indirect.scatter.add.f32 [tilespmem:s16], [sflag:$0x2], $0x80, s14, s15, $0xb8;
	[tilespmem:$0x16900] =	vst v63  }
0x33: {  	_ =	swait.ge [sflag:s12], $0x2800  }
0x34: {  	s21 =	smov.u32 s23;
	[sflag:s12] =	ssyncset.done $0x0  }
0x35: {  	s21 =	sadd.s32 s20, s5;
	s30 =	sadd.s32 s20, s10;
	[sflag:s12] =	ssyncadd.s32 $0xFFFFD800  }
0x36: {  	[tilespmem:s13], [sflag:$0x2] =	stream.linear.gather [hbm4b:s30+s4], $0x80, $0x38;
	[tilespmem:$0x16900] =	vst v63  }
0x37: {  	s31 =	sand.u32 $0xFFFFF80, s21;
	_ =	swait.ge [sflag:s12], $0x80  }
0x38: {  	s21 =	sand.u32 $0x70, s21;
	s20 =	sadd.s32 s31, s8;
	[sflag:s12] =	ssyncset.done $0x0  }
0x39: {  	s20 =	sadd.s32 s21, s20;
	[sflag:s12] =	ssyncadd.s32 $0xFFFFFF80  }
0x3a: {  	[tilespmem:s14], [sflag:$0x2] =	stream.linear.gather [hbm4b:s20+s4], $0x80, $0x38;
	[tilespmem:$0x16900] =	vst v63  }
0x3b: {  	_ =	swait.ge [sflag:s12], $0x80  }
0x3c: {  	[sflag:s12] =	ssyncset.done $0x0  }
0x3d: {  	[sflag:s12] =	ssyncadd.s32 $0xFFFFFF80  }
0x3e: {  	[tilespmem:s16], [sflag:$0x1] =	stream.indirect.gather [hbm4b:s1+s15], $0x80, s13, s15, $0xb8;
	[tilespmem:$0x16900] =	vst v63  }
0x3f: {  	_ =	swait.ge [sflag:s17], $0x2800  }
0x40: {  	[sflag:s17] =	ssyncset.done $0x0  }
0x41: {  	[sflag:s17] =	ssyncadd.s32 $0xFFFFD800  }
0x42: {  	[spmem:s3] =	stream.indirect.scatter.add.f32 [tilespmem:s16], [sflag:$0x2], $0x80, s14, s15, $0xb8;
	[tilespmem:$0x16900] =	vst v63  }
0x43: {  	_ =	swait.ge [sflag:s12], $0x2800  }
0x44: {  	s19 =	sadd.s32 $0x1, s19;
	[sflag:s12] =	ssyncset.done $0x0  }
0x45: {  	p0 =	sne.s32 s19, s9;
	[sflag:s12] =	ssyncadd.s32 $0xFFFFD800  }
.Ltmp1:
0x46: {  	[bflag:$0x0] =	sbarrier.arrive $0xFFFF;
	(pc) =	sbr.rel @p0 .LBB2_1-.Ltmp1, $4  }
0x47: {  	[hbm:s18], [sflag:s7] =	dma.local [spmem:s11], $0x2800  }
0x48: {  	_ =	swait.ge [sflag:s12], $0x2800  }
0x49: {  	[sflag:s12] =	ssyncset.done $0x0  }
0x4a: {  	[sflag:s12] =	ssyncadd.s32 $0xFFFFD800  }
0x4b: {  	_ =	sfence.sel $0x180000  }
0x4c: {  	[bflag:$0x0] =	sbarrier.arrive $0xFFFF  }
0x4d: {  	p0 =	sne.s32 s0, $0x0;
	_ =	strace $0x90000047  }
0x4e: {  	s0 =	sadd.s32 @!p0 $0x100000, s2;
	[bflag:$0x2] =	sbarrier.arrive $0xFFFF  }
0x4f: {  	[sflag:s0] =	ssyncadd.tile.s32 @!p0 $0x1;
	_ =	shalt  }
.Lfunc_end2:
_tile_overlayer_lowered:
.L_overlay_start_2:
0x50: {  	(tag) =	ssettag $0x2  }
0x51: {  	s0 =	rddreg [dreg:$0x0];
	s2 =	stileid.u32  }
0x52: {  	s1 =	rddreg [dreg:$0x1];
	p0 =	sne.s32 s2, $0x0  }
0x53: {  	s3 =	rddreg [dreg:$0x2];
	[bflag:$0x3] =	sbarrier.arrive $0xFFFF;
	s2 =	simm.s32 @!p0 $0x1C02  }
0x54: {  	[timem:s3], [sflag:s2] =	dma.local @!p0 [hbm:s0], s1  }
0x55: {  	s0 =	simm.s32 @!p0 $0x2  }
0x56: {  	_ =	swait.ge @!p0 [sflag:s0], s1  }
0x57: {  	s1 =	ssub.s32 @!p0 $0x0, s1;
	[sflag:s0] =	ssyncset.done @!p0 $0x0  }
0x58: {  	[sflag:s0] =	ssyncadd.s32 @!p0 s1  }
0x59: {  	[bflag:$0x3] =	sbarrier.arrive $0xFFFF  }
0x5a: {  	_ =	shalt  }

// kernel: kernel.9.cloned.1.call-start
scs
__scs_entry_jumppad:
0x0: {  	(pc) =	sbr.rel $0x88, $3  }
0x1: {  	(tag) =	ssettag $0x0;
	lr =	simm.s32 $0x1  }
0x2: {  	[smem:$0x3F90] =	sst lr;
	_ =	strace $0xD0000000  }
0x3: {  	_ = 	snop  }
0x4: {  	_ = 	snop  }
0x5: {  	_ = 	snop  }
0x6: {  	_ = 	snop  }
0x7: {  	_ = 	snop  }
__scs_overlays_trampoline_lowered:
0x8: {  	[smem:$0x3F9F] =	sst s0  }
0x9: {  	[smem:$0x3FA0] =	sst s1  }
0xa: {  	[smem:$0x3FA1] =	sst s2  }
0xb: {  	[smem:$0x3FA2] =	sst s3  }
0xc: {  	[smem:$0x3FA3] =	sst s4  }
0xd: {  	[smem:$0x3FA4] =	sst s5  }
0xe: {  	[smem:$0x3FA5] =	sst s6  }
0xf: {  	[smem:$0x3FA6] =	sst s7  }
0x10: {  	[smem:$0x3FA7] =	sst s8  }
0x11: {  	[smem:$0x3FA8] =	sst s9;
	s0 =	simm.s32 @!p0 $0x0  }
0x12: {  	s1 =	sld [smem:$0x3F8E];
	s0 =	simm.s32 @p0 $0x1  }
0x13: {  	[smem:$0x3FA9] =	sst s0;
	s0 =	simm.s32 @!p1 $0x0  }
0x14: {  	s2 =	sld [smem:$0x3F8D];
	s0 =	simm.s32 @p1 $0x1  }
0x15: {  	[smem:$0x3FAA] =	sst s0;
	s0 =	simm.s32 @!p2 $0x0  }
0x16: {  	s3 =	sld [smem:$0x3FDB];
	s0 =	simm.s32 @p2 $0x1  }
0x17: {  	s4 =	simm.s32 $0x1BF5;
	[smem:$0x3FAC] =	sst s0  }
0x18: {  	s0 =	sld [smem:$0x3F8F];
	_ =	swait.ge [sflag:s4], $0x0  }
0x19: {  	s7 =	sld [smem:$0x3F90]  }
0x1a: {  	s8 =	sadd.s32 $0xFFFFE003, lr  }
0x1b: {  	s9 =	sadd.s32 $0xFFFFFEF7, lr;
	s5 =	simm.s32 $0xFFFFFFFF;
	p2 =	slt.u32 s8, $0xFFFFF086  }
0x1c: {  	p1 =	slt.u32 s9, $0xF7A;
	s5 =	simm.s32 @!p2 $0x0  }
0x1d: {  	s5 =	simm.s32 @p1 $0x1;
	p0 =	seq.s32 s7, s2  }
0x1e: {  	s7 =	smul.u32 @!p0 $0xF7A, s2;
	p2 =	seq.s32 @!p0 s5, $0x0  }
0x1f: {  	s9 =	smul.u32 $0xF7A, s1;
	s8 =	simm.s32 @!p0 $0x1BF5;
	p2 =	por !p2, p0  }
0x20: {  	[sflag:s8] =	ssyncset.s32 @!p0 $0xFFFFF086;
	s6 =	sadd.s32 @!p0 s3, s7;
	s7 =	simm.s32 @!p0 $0x108  }
0x21: {  	s3 =	sadd.s32 s3, s9;
	s6 =	sadd.s32 @!p0 $0x88, s6;
	s7 =	simm.s32 @p2 $0x1082  }
0x22: {  	[simem:s7], [sflag:s8] =	dma.local @!p0 [hbm:s6], $0xF7A  }
0x23: {  	s9 =	sor.u32 $0xD0000000, s2;
	s6 =	simm.s32 $0x108;
	_ =	swait.ge @!p0 [sflag:s8], $0x0  }
0x24: {  	s3 =	sadd.s32 $0x88, s3;
	s6 =	simm.s32 @!p1 $0x1082;
	[sflag:s4] =	ssyncset.s32 $0xFFFFF086  }
0x25: {  	[simem:s6], [sflag:s4] =	dma.local [hbm:s3], $0xF7A  }
0x26: {  	[smem:$0x3F90] =	sst s1;
	(tag) =	ssettag s2;
	_ =	strace s9  }
0x27: {  	s1 =	sld [smem:$0x3FA0]  }
0x28: {  	s2 =	sld [smem:$0x3FA1]  }
0x29: {  	s4 =	sld [smem:$0x3FA3]  }
0x2a: {  	p0 =	seq.s32 s5, $0x0;
	s5 =	sld [smem:$0x3FA4]  }
0x2b: {  	s6 =	sld [smem:$0x3FA5]  }
0x2c: {  	s7 =	sld [smem:$0x3FA6]  }
0x2d: {  	s3 =	simm.s32 $0x108;
	s8 =	sld [smem:$0x3FA7]  }
0x2e: {  	s3 =	simm.s32 @!p0 $0x1082;
	s9 =	sld [smem:$0x3FA8]  }
0x2f: {  	lr =	sadd.s32 s0, s3;
	s0 =	sld [smem:$0x3F9F]  }
0x30: {  	s3 =	sld [smem:$0x3FA2]  }
0x31: {  	[smem:$0x3FAB] =	sst s10  }
0x32: {  	s10 =	sld [smem:$0x3FA9];
	_ =	sdelay $0x3  }
0x33: {  	p0 =	seq.s32 s10, $0x1;
	s10 =	sld [smem:$0x3FAB];
	_ =	sdelay $0x3  }
0x34: {  	[smem:$0x3FAB] =	sst s10  }
0x35: {  	s10 =	sld [smem:$0x3FAA];
	_ =	sdelay $0x3  }
0x36: {  	p1 =	seq.s32 s10, $0x1;
	s10 =	sld [smem:$0x3FAB];
	_ =	sdelay $0x3  }
0x37: {  	[smem:$0x3FAB] =	sst s10  }
0x38: {  	s10 =	sld [smem:$0x3FAC]  }
0x39: {  	_ = 	snop;
	(pc) =	sbr.ind lr, $3  }
0x3a: {  	_ = 	snop  }
0x3b: {  	_ = 	snop  }
0x3c: {  	p2 =	seq.s32 s10, $0x1;
	s10 =	sld [smem:$0x3FAB]  }
0x3d: {  	_ =	shalt  }
0x3e: {  	_ =	shalt  }
0x3f: {  	_ =	shalt  }
0x40: {  	_ =	shalt  }
0x41: {  	_ =	shalt  }
0x42: {  	_ =	shalt  }
0x43: {  	_ =	shalt  }
0x44: {  	_ =	shalt  }
0x45: {  	_ =	shalt  }
0x46: {  	_ =	shalt  }
0x47: {  	_ =	shalt  }
0x48: {  	_ =	shalt  }
0x49: {  	_ =	shalt  }
0x4a: {  	_ =	shalt  }
0x4b: {  	_ =	shalt  }
0x4c: {  	_ =	shalt  }
0x4d: {  	_ =	shalt  }
0x4e: {  	_ =	shalt  }
0x4f: {  	_ =	shalt  }
0x50: {  	_ =	shalt  }
0x51: {  	_ =	shalt  }
0x52: {  	_ =	shalt  }
0x53: {  	_ =	shalt  }
0x54: {  	_ =	shalt  }
0x55: {  	_ =	shalt  }
0x56: {  	_ =	shalt  }
0x57: {  	_ =	shalt  }
0x58: {  	_ =	shalt  }
0x59: {  	_ =	shalt  }
0x5a: {  	_ =	shalt  }
0x5b: {  	_ =	shalt  }
0x5c: {  	_ =	shalt  }
0x5d: {  	_ =	shalt  }
0x5e: {  	_ =	shalt  }
0x5f: {  	_ =	shalt  }
0x60: {  	_ =	shalt  }
0x61: {  	_ =	shalt  }
0x62: {  	_ =	shalt  }
0x63: {  	_ =	shalt  }
0x64: {  	_ =	shalt  }
0x65: {  	_ =	shalt  }
0x66: {  	_ =	shalt  }
0x67: {  	_ =	shalt  }
0x68: {  	_ =	shalt  }
0x69: {  	_ =	shalt  }
0x6a: {  	_ =	shalt  }
0x6b: {  	_ =	shalt  }
0x6c: {  	_ =	shalt  }
0x6d: {  	_ =	shalt  }
0x6e: {  	_ =	shalt  }
0x6f: {  	_ =	shalt  }
0x70: {  	_ =	shalt  }
0x71: {  	_ =	shalt  }
0x72: {  	_ =	shalt  }
0x73: {  	_ =	shalt  }
0x74: {  	_ =	shalt  }
0x75: {  	_ =	shalt  }
0x76: {  	_ =	shalt  }
0x77: {  	_ =	shalt  }
0x78: {  	_ =	shalt  }
0x79: {  	_ =	shalt  }
0x7a: {  	_ =	shalt  }
0x7b: {  	_ =	shalt  }
0x7c: {  	_ =	shalt  }
0x7d: {  	_ =	shalt  }
0x7e: {  	_ =	shalt  }
0x7f: {  	_ =	shalt  }
0x80: {  	_ =	shalt  }
0x81: {  	_ =	shalt  }
0x82: {  	_ =	shalt  }
0x83: {  	_ =	shalt  }
0x84: {  	_ =	shalt  }
0x85: {  	_ =	shalt  }
0x86: {  	_ =	shalt  }
0x87: {  	_ =	shalt  }
.Lfunc_end0:
.L_simem_size_0:
called_computation.1_lowered:
.L_overlay_start_0:
0x88: {  	s2 =	sld [smem:$0x3FD9]  }
0x89: {  	s3 =	sld [smem:$0x3FFE];
	_ =	sdelay $0x1  }
0x8a: {  	s1 =	srdreg.scid  }
0x8b: {  	s0 =	sand.u32 $0x1, s1  }
0x8c: {  	s16 =	sshll.u32 s0, $0xA;
	s2 =	sadd.s32 s3, s2  }
0x8d: {  	s2 =	sadd.s32 s2, s16  }
0x8e: {  	[smem:$0x3FB7] =	sst s2  }
0x8f: {  	_ = 	snop  }
0x90: {  	(tm) =	ssettm $0x1  }
0x91: {  	s17 =	sld [smem:$0x3FFB];
	_ =	sdelay $0x3  }
0x92: {  	_ =	strace s17  }
0x93: {  	s2 =	sld [smem:$0x3FFC];
	_ =	sdelay $0x3  }
0x94: {  	_ =	strace s2  }
0x95: {  	s2 =	sld [smem:$0x3FFD];
	_ =	sdelay $0x3  }
0x96: {  	_ =	strace s2  }
0x97: {  	_ =	strace $0x8FFFFFFF  }
0x98: {  	s18 =	sld [smem:$0x3FDB];
	_ =	sdelay $0x1  }
0x99: {  	s19 =	simm.s32 $_scs_section_size  }
0x9a: {  	s4 =	simm.s32 $_size__tile_overlayer_lowered;
	s5 =	simm.s32 $_tile_overlayer_lowered  }
0x9b: {  	s22 =	simm.s32 $0x1BFF;
	s21 =	sshll.u32 s5, $0x1;
	s2 =	sadd.s32 s19, s18  }
0x9c: {  	s6 =	simm.s32 $0x0;
	s20 =	sshll.u32 s4, $0x1;
	s4 =	sadd.s32 s21, s2  }
0x9d: {  	[timem:s6], [sflag:s22] =	dma.local [hbm:s4], s20  }
0x9e: {  	_ =	swait.ge [sflag:s22], s20  }
0x9f: {  	s3 =	ssub.s32 $0x0, s20;
	[sflag:s22] =	ssyncset.done $0x0  }
0xa0: {  	[sflag:s22] =	ssyncadd.s32 s3;
	_ =	sdelay $0x1  }
0xa1: {  	s23 =	simm.s32 $0x1B8B  }
0xa2: {  	_ =	swait.ge [sflag:s23], $0x1  }
0xa3: {  	[sflag:s23] =	ssyncset.done $0x0  }
0xa4: {  	s25 =	simm.s32 $0x1B8E;
	s24 =	sld [smem:$0x3FFE];
	[sflag:s23] =	ssyncadd.s32 $0xFFFFFFFF  }
0xa5: {  	s26 =	simm.s32 $execute0_lowered;
	[smem:$0x3FD2] =	sst s25  }
0xa6: {  	s4 =	sshll.u32 s26, $0x1;
	_ =	strace $0x80000049;
	[dreg:$0x1] =	wrdreg $0xFFFFFFFF  }
0xa7: {  	s28 =	simm.s32 $_size_execute0_lowered;
	s2 =	sadd.s32 s2, s4;
	[dreg:$0x0] =	wrdreg $0x0  }
0xa8: {  	s4 =	sshll.u32 s28, $0x1;
	[dreg:$0x2] =	wrdreg s2  }
0xa9: {  	[dreg:$0x3] =	wrdreg s4  }
0xaa: {  	[dreg:$0x4] =	wrdreg $0xC0  }
0xab: {  	_ =	task [dreg:s6], $0x5FFFF  }
0xac: {  	[dreg:$0x1] =	wrdreg $0xFFFFFFFF  }
0xad: {  	[dreg:$0x0] =	wrdreg $0x60  }
0xae: {  	[dreg:$0x2] =	wrdreg s24  }
0xaf: {  	[dreg:$0x3] =	wrdreg $0x0  }
0xb0: {  	[dreg:$0x4] =	wrdreg $0x9  }
0xb1: {  	_ =	task.clear_ibuf [dreg:s6], $0x5FFFF;
	_ =	strace $0x90000049  }
0xb2: {  	s29 =	simm.s32 $0x9;
	_ =	strace $0x8000004B  }
0xb3: {  	_ =	swait.ge [sflag:s29], $0x1  }
0xb4: {  	[sflag:s29] =	ssyncadd.s32 $0xFFFFFFFF  }
0xb5: {  	_ =	strace $0x9000004B  }
0xb6: {  	_ =	sfence  }
0xb7: {  	s30 =	sld [smem:$0x0];
	_ =	sdelay $0x2  }
0xb8: {  	s31 =	sshll.u32 s1, $0xD;
	s1 =	sshrl.u32 s1, $0x2  }
0xb9: {  	s3 =	sand.u32 $0x4000, s31;
	s1 =	sadd.s32 s1, s30  }
0xba: {  	s0 =	sor.u32 s3, s0;
	s1 =	sshll.u32 s1, $0x11  }
0xbb: {  	s0 =	sor.u32 s1, s0  }
0xbc: {  	s0 =	sadd.s32 $0x8F2B, s0  }
0xbd: {  	[sflag:s0] =	ssyncadd.remote.s32 $0x1  }
0xbe: {  	_ =	sfence.sel $0xFFFF  }
0xbf: {  	[dreg:$0x0] =	wrdreg $0xFFFFFFFF;
	(pc) =	sbr.abs _section_cstart, $3  }
0xc0: {  	[dreg:$0x1] =	wrdreg $0xFFFFFFFF  }
0xc1: {  	_ =	task.clear_ibuf [dreg:s6], $0x2FFFF;
	_ =	strace $0x9FFFFFFF  }
0xc2: {  	(tm) =	ssettm $0x7FFFFFFF  }
0xc3: {  	_ =	shalt  }
tec
execute0_lowered:
.L_overlay_start_1:
0x0: {  	(tag) =	ssettag $0x1  }
0x1: {  	s9 =	rddreg [dreg:$0x0]  }
0x2: {  	s2 =	rddreg [dreg:$0x1]  }
0x3: {  	s0 =	rddreg [dreg:$0x2]  }
0x4: {  	s3 =	simm.s32 $0x0;
	s1 =	stileid.u32;
	s4 =	srdreg.scid  }
0x5: {  	s16 =	simm.s32 $0x50;
	s17 =	simm.s32 $0x14100;
	s18 =	simm.s32 $0x1  }
0x6: {  	[smem:$0x7FF] =	sst s3;
	s19 =	smul.u32 $0x2800, s1;
	s7 =	sand.u32 $0x1, s4  }
0x7: {  	s4 =	sadd.s32 $0x5A400, s9;
	s5 =	sadd.s32 $0x3600, s9;
	s10 =	smul.u32 $0x50000, s1  }
0x8: {  	s31 =	sshll.u32 s1, $0x6;
	_ =	strace $0x8000004A;
	s6 =	smul.u32 $0x28000, s7  }
0x9: {  	s8 =	ssub.s32 $0x2, s7;
	s15 =	smul.u32 $0xFA00, s7;
	s11 =	sadd.s32 s19, s9  }
0xa: {  	s29 =	sshrl.u32 s8, $0x1;
	s30 =	sshrl.u32 s10, $0x2;
	s12 =	sadd.s32 s6, s9  }
0xb: {  	s13 =	ssub.s32 s8, s29;
	s6 =	smul.u32 $0xFA0, s1;
	s14 =	sadd.s32 s30, s2  }
0xc: {  	s7 =	sadd.s32 $0x32400, s11;
	s8 =	sor.u32 $0x1C02, s31;
	s9 =	sadd.s32 $0x22A00, s9  }
0xd: {  	s20 =	sadd.s32 $0xAA400, s12;
	s10 =	smax.u32 s13, $0x1;
	s12 =	sshrl.u32 s14, $0x3  }
0xe: {  	s13 =	simm.s32 $0x2;
	s14 =	simm.s32 $0x14000;
	s11 =	sadd.s32 s15, s6  }
0xf: {  	s15 =	simm.s32 $0x14080;
	s19 =	sadd.s32 s19, s20;
	s20 =	simm.s32 $0x0  }
.LBB2_1:
0x10: {  	[spmem:s12], [sflag:s8] =	dma.local [hbm:s7], $0x2800  }
0x11: {  	s21 =	sadd.s32 $0x0, s6;
	_ =	swait.ge [sflag:s13], $0x2800  }
0x12: {  	s22 =	sadd.s32 $0x0, s11;
	s23 =	sand.u32 $0x70, s21;
	[sflag:s13] =	ssyncset.done $0x0  }
0x13: {  	s22 =	sand.u32 $0x3FF80, s22;
	s24 =	sadd.s32 s5, s23;
	[sflag:s13] =	ssyncadd.s32 $0xFFFFD800  }
0x14: {  	s22 =	sadd.s32 s22, s24;
	[bflag:$0x0] =	sbarrier.arrive $0xFFFF  }
0x15: {  	[tilespmem:s14], [sflag:$0x2] =	stream.linear.gather [hbm4b:s22+s3], $0x80, $0x38;
	[tilespmem:$0x16900] =	vst v63  }
0x16: {  	s21 =	sand.u32 $0x1FF80, s21;
	_ =	swait.ge [sflag:s13], $0x80  }
0x17: {  	s21 =	sadd.s32 s21, s9;
	[sflag:s13] =	ssyncset.done $0x0  }
0x18: {  	s21 =	sadd.s32 s23, s21;
	[sflag:s13] =	ssyncadd.s32 $0xFFFFFF80  }
0x19: {  	[tilespmem:s15], [sflag:$0x2] =	stream.linear.gather [hbm4b:s21+s3], $0x80, $0x38;
	[tilespmem:$0x16900] =	vst v63  }
0x1a: {  	_ =	swait.ge [sflag:s13], $0x80  }
0x1b: {  	[sflag:s13] =	ssyncset.done $0x0  }
0x1c: {  	[sflag:s13] =	ssyncadd.s32 $0xFFFFFF80  }
0x1d: {  	[tilespmem:s17], [sflag:$0x1] =	stream.indirect.gather [hbm4b:s4+s16], $0x80, s14, s16, $0xb8;
	[tilespmem:$0x16900] =	vst v63  }
0x1e: {  	_ =	swait.ge [sflag:s18], $0x2800  }
0x1f: {  	[sflag:s18] =	ssyncset.done $0x0  }
0x20: {  	s31 =	sadd.s32 $0x10, s11;
	s23 =	sadd.s32 $0x10, s6;
	[sflag:s18] =	ssyncadd.s32 $0xFFFFD800  }
0x21: {  	[spmem:s2] =	stream.indirect.scatter.add.f32 [tilespmem:s17], [sflag:$0x2], $0x80, s15, s16, $0xb8;
	[tilespmem:$0x16900] =	vst v63  }
0x22: {  	s24 =	sand.u32 $0x3FF80, s31;
	s22 =	sand.u32 $0x70, s23;
	_ =	swait.ge [sflag:s13], $0x2800  }
0x23: {  	s25 =	sadd.s32 s5, s22;
	s21 =	simm.s32 $0x20;
	[sflag:s13] =	ssyncset.done $0x0  }
.LBB2_2:
0x24: {  	s24 =	sadd.s32 s24, s25  }
0x25: {  	s23 =	sand.u32 $0x1FF80, s23;
	[sflag:s13] =	ssyncadd.s32 $0xFFFFD800;
	s25 =	smov.u32 s21  }
0x26: {  	[tilespmem:s14], [sflag:$0x2] =	stream.linear.gather [hbm4b:s24+s3], $0x80, $0x38;
	[tilespmem:$0x16900] =	vst v63  }
0x27: {  	p0 =	sne.s32 s21, $0xF90;
	s21 =	sadd.s32 $0x10, s21;
	_ =	swait.ge [sflag:s13], $0x80  }
0x28: {  	s23 =	sadd.s32 s23, s9;
	[sflag:s13] =	ssyncset.done $0x0  }
0x29: {  	s22 =	sadd.s32 s22, s23;
	[sflag:s13] =	ssyncadd.s32 $0xFFFFFF80  }
0x2a: {  	[tilespmem:s15], [sflag:$0x2] =	stream.linear.gather [hbm4b:s22+s3], $0x80, $0x38;
	[tilespmem:$0x16900] =	vst v63  }
0x2b: {  	_ =	swait.ge [sflag:s13], $0x80  }
0x2c: {  	[sflag:s13] =	ssyncset.done $0x0  }
0x2d: {  	[sflag:s13] =	ssyncadd.s32 $0xFFFFFF80  }
0x2e: {  	[tilespmem:s17], [sflag:$0x1] =	stream.indirect.gather [hbm4b:s4+s16], $0x80, s14, s16, $0xb8;
	[tilespmem:$0x16900] =	vst v63  }
0x2f: {  	_ =	swait.ge [sflag:s18], $0x2800  }
.Ltmp0:
0x30: {  	[sflag:s18] =	ssyncset.done $0x0;
	(pc) =	sbr.rel @p0 .LBB2_2-.Ltmp0, $4  }
0x31: {  	s23 =	sadd.s32 s25, s6;
	[sflag:s18] =	ssyncadd.s32 $0xFFFFD800  }
0x32: {  	[spmem:s2] =	stream.indirect.scatter.add.f32 [tilespmem:s17], [sflag:$0x2], $0x80, s15, s16, $0xb8;
	[tilespmem:$0x16900] =	vst v63  }
0x33: {  	s24 =	sadd.s32 s25, s11;
	s22 =	sand.u32 $0x70, s23;
	_ =	swait.ge [sflag:s13], $0x2800  }
0x34: {  	s24 =	sand.u32 $0x3FF80, s24;
	s25 =	sadd.s32 s5, s22;
	[sflag:s13] =	ssyncset.done $0x0  }
0x35: {  	s21 =	sadd.s32 s24, s25;
	[sflag:s13] =	ssyncadd.s32 $0xFFFFD800  }
0x36: {  	[tilespmem:s14], [sflag:$0x2] =	stream.linear.gather [hbm4b:s21+s3], $0x80, $0x38;
	[tilespmem:$0x16900] =	vst v63  }
0x37: {  	s31 =	sand.u32 $0x1FF80, s23;
	_ =	swait.ge [sflag:s13], $0x80  }
0x38: {  	s21 =	sadd.s32 s31, s9;
	[sflag:s13] =	ssyncset.done $0x0  }
0x39: {  	s21 =	sadd.s32 s22, s21;
	[sflag:s13] =	ssyncadd.s32 $0xFFFFFF80  }
0x3a: {  	[tilespmem:s15], [sflag:$0x2] =	stream.linear.gather [hbm4b:s21+s3], $0x80, $0x38;
	[tilespmem:$0x16900] =	vst v63  }
0x3b: {  	_ =	swait.ge [sflag:s13], $0x80  }
0x3c: {  	[sflag:s13] =	ssyncset.done $0x0  }
0x3d: {  	[sflag:s13] =	ssyncadd.s32 $0xFFFFFF80  }
0x3e: {  	[tilespmem:s17], [sflag:$0x1] =	stream.indirect.gather [hbm4b:s4+s16], $0x80, s14, s16, $0xb8;
	[tilespmem:$0x16900] =	vst v63  }
0x3f: {  	_ =	swait.ge [sflag:s18], $0x2800  }
0x40: {  	[sflag:s18] =	ssyncset.done $0x0  }
0x41: {  	[sflag:s18] =	ssyncadd.s32 $0xFFFFD800  }
0x42: {  	[spmem:s2] =	stream.indirect.scatter.add.f32 [tilespmem:s17], [sflag:$0x2], $0x80, s15, s16, $0xb8;
	[tilespmem:$0x16900] =	vst v63  }
0x43: {  	_ =	swait.ge [sflag:s13], $0x2800  }
0x44: {  	s20 =	sadd.s32 $0x1, s20;
	[sflag:s13] =	ssyncset.done $0x0  }
0x45: {  	p0 =	sne.s32 s20, s10;
	[sflag:s13] =	ssyncadd.s32 $0xFFFFD800  }
.Ltmp1:
0x46: {  	[bflag:$0x0] =	sbarrier.arrive $0xFFFF;
	(pc) =	sbr.rel @p0 .LBB2_1-.Ltmp1, $4  }
0x47: {  	[hbm:s19], [sflag:s8] =	dma.local [spmem:s12], $0x2800  }
0x48: {  	_ =	swait.ge [sflag:s13], $0x2800  }
0x49: {  	[sflag:s13] =	ssyncset.done $0x0  }
0x4a: {  	[sflag:s13] =	ssyncadd.s32 $0xFFFFD800  }
0x4b: {  	_ =	sfence.sel $0x180000  }
0x4c: {  	[bflag:$0x0] =	sbarrier.arrive $0xFFFF  }
0x4d: {  	p0 =	sne.s32 s1, $0x0;
	_ =	strace $0x9000004A  }
0x4e: {  	s0 =	sadd.s32 @!p0 $0x100000, s0;
	[bflag:$0x2] =	sbarrier.arrive $0xFFFF  }
0x4f: {  	[sflag:s0] =	ssyncadd.tile.s32 @!p0 $0x1;
	_ =	shalt  }
.Lfunc_end2:
_tile_overlayer_lowered:
.L_overlay_start_2:
0x50: {  	(tag) =	ssettag $0x2  }
0x51: {  	s0 =	rddreg [dreg:$0x0];
	s2 =	stileid.u32  }
0x52: {  	s1 =	rddreg [dreg:$0x1];
	p0 =	sne.s32 s2, $0x0  }
0x53: {  	s3 =	rddreg [dreg:$0x2];
	[bflag:$0x3] =	sbarrier.arrive $0xFFFF;
	s2 =	simm.s32 @!p0 $0x1C02  }
0x54: {  	[timem:s3], [sflag:s2] =	dma.local @!p0 [hbm:s0], s1  }
0x55: {  	s0 =	simm.s32 @!p0 $0x2  }
0x56: {  	_ =	swait.ge @!p0 [sflag:s0], s1  }
0x57: {  	s1 =	ssub.s32 @!p0 $0x0, s1;
	[sflag:s0] =	ssyncset.done @!p0 $0x0  }
0x58: {  	[sflag:s0] =	ssyncadd.s32 @!p0 s1  }
0x59: {  	[bflag:$0x3] =	sbarrier.arrive $0xFFFF  }
0x5a: {  	_ =	shalt  }

</sc_bundles>
